<compile_context>
chip_gen: v7x
topology: tpu7x:2x2x1
jax: 0.10.2.dev20260603
libtpu: 0.0.44.dev20260713+nightly
codegen_flags: <defaults>
</compile_context>

<pallas_src>
import functools

import jax
import jax.numpy as jnp
from jax import lax
from jax.experimental import pallas as pl
from jax.experimental.pallas import tpu as pltpu
from jax.experimental.pallas import tpu_sc as plsc

_NC = 2
_NS = 16
_NW = _NC * _NS
_CH = 128
_R = 256


def _sc_mesh():
    return plsc.VectorSubcoreMesh(core_axis_name="c", subcore_axis_name="s",
                                  num_cores=_NC, num_subcores=_NS)


def _make_deg_kernel(n_pad, cpt):
    rpt = n_pad // _NS

    @functools.partial(
        pl.kernel,
        out_type=jax.ShapeDtypeStruct((_NC, n_pad, 16), jnp.float32),
        mesh=_sc_mesh(),
        scratch_types=[
            pltpu.VMEM((cpt, _CH), jnp.int32),
            pltpu.VMEM((_CH, 16), jnp.float32),
            pltpu.VMEM_SHARED((n_pad, 16), jnp.float32),
            pltpu.SemaphoreType.DMA,
        ],
    )
    def deg_kernel(row_hbm, ones_hbm, zrow_hbm, out_hbm, rowv, onev, shared, sem):
        cid = lax.axis_index("c")
        sid = lax.axis_index("s")
        wid = sid * _NC + cid
        pltpu.sync_copy(row_hbm.at[wid], rowv)
        pltpu.sync_copy(ones_hbm, onev)
        pltpu.sync_copy(zrow_hbm, shared.at[pl.ds(sid * rpt, rpt)])
        plsc.subcore_barrier()

        def body(j, carry):
            pltpu.sync_copy(onev, shared.at[rowv.at[j]], add=True)
            return carry

        lax.fori_loop(0, cpt, body, 0)
        plsc.subcore_barrier()
        pltpu.sync_copy(shared.at[pl.ds(sid * rpt, rpt)],
                        out_hbm.at[cid, pl.ds(sid * rpt, rpt)])

    return deg_kernel


def _make_spmm_kernel(n_pad, cpt, d):
    rpt = n_pad // _NS

    @functools.partial(
        pl.kernel,
        out_type=jax.ShapeDtypeStruct((_NC, n_pad, d), jnp.float32),
        mesh=_sc_mesh(),
        scratch_types=[
            pltpu.VMEM((cpt, _CH), jnp.int32),
            pltpu.VMEM((cpt, _CH), jnp.int32),
            pltpu.VMEM((_CH, d), jnp.float32),
            pltpu.VMEM_SHARED((n_pad, d), jnp.float32),
            pltpu.SemaphoreType.DMA,
        ],
    )
    def spmm(table_hbm, row_hbm, col_hbm, zrow_hbm, out_hbm,
             rowv, colv, gbuf, shared, sem):
        cid = lax.axis_index("c")
        sid = lax.axis_index("s")
        wid = sid * _NC + cid
        pltpu.sync_copy(row_hbm.at[wid], rowv)
        pltpu.sync_copy(col_hbm.at[wid], colv)
        pltpu.sync_copy(zrow_hbm, shared.at[pl.ds(sid * rpt, rpt)])
        plsc.subcore_barrier()

        def body(j, carry):
            pltpu.async_copy(table_hbm.at[rowv.at[j]], gbuf, sem).wait()
            pltpu.sync_copy(gbuf, shared.at[colv.at[j]], add=True)
            return carry

        lax.fori_loop(0, cpt, body, 0)
        plsc.subcore_barrier()
        pltpu.sync_copy(shared.at[pl.ds(sid * rpt, rpt)],
                        out_hbm.at[cid, pl.ds(sid * rpt, rpt)])

    return spmm


def _leaky(v):
    return jnp.where(v >= 0, v, 0.01 * v)


def _dinv_of(d0, d1):
    return lax.rsqrt(d0[:, 0:1] + d1[:, 0:1] + 1.0)


def _make_prep_kernel(n_pad, d):
    def body(x_ref, wfc_ref, bfc_ref, d0_ref, d1_ref, wg_ref, bg_ref,
             h_ref, s_ref):
        dinv = _dinv_of(d0_ref[...], d1_ref[...])
        h = jnp.dot(x_ref[...], wfc_ref[...],
                    preferred_element_type=jnp.float32) + bfc_ref[...]
        h = _leaky(h)
        s = dinv * (jnp.dot(h, wg_ref[...],
                            preferred_element_type=jnp.float32) + bg_ref[...])
        h_ref[...] = h
        s_ref[...] = s

    row_blk = pl.BlockSpec((_R, d), lambda i: (i, 0))
    return pl.pallas_call(
        body,
        grid=(n_pad // _R,),
        in_specs=[
            row_blk,
            pl.BlockSpec((d, d), lambda i: (0, 0)),
            pl.BlockSpec((1, d), lambda i: (0, 0)),
            pl.BlockSpec((_R, 16), lambda i: (i, 0)),
            pl.BlockSpec((_R, 16), lambda i: (i, 0)),
            pl.BlockSpec((d, d), lambda i: (0, 0)),
            pl.BlockSpec((1, d), lambda i: (0, 0)),
        ],
        out_specs=[row_blk, row_blk],
        out_shape=[jax.ShapeDtypeStruct((n_pad, d), jnp.float32)] * 2,
    )


def _make_layer_kernel(n_pad, d, first, last):
    def body(*refs):
        it = iter(refs)
        p0, p1, s, h = (next(it) for _ in range(4))
        m = None if first else next(it)
        d0, d1, wih, whh, bih, bhh = (next(it) for _ in range(6))
        if not last:
            wg, bg = next(it), next(it)
        h_out = next(it)
        m_out = next(it)
        if not last:
            s_out = next(it)

        dinv = _dinv_of(d0[...], d1[...])
        g = dinv * (p0[...] + p1[...] + s[...])
        hh = h[...]
        gi = jnp.dot(g, wih[...], preferred_element_type=jnp.float32) + bih[...]
        gh = jnp.dot(hh, whh[...], preferred_element_type=jnp.float32) + bhh[...]
        r = jax.nn.sigmoid(gi[:, :d] + gh[:, :d])
        z = jax.nn.sigmoid(gi[:, d:2 * d] + gh[:, d:2 * d])
        nn = jnp.tanh(gi[:, 2 * d:] + r * gh[:, 2 * d:])
        hn = (1.0 - z) * nn + z * hh
        h_out[...] = hn
        m_out[...] = hn if first else jnp.maximum(m[...], hn)
        if not last:
            s_out[...] = dinv * (jnp.dot(hn, wg[...],
                                         preferred_element_type=jnp.float32)
                                 + bg[...])

    row_blk = pl.BlockSpec((_R, d), lambda i: (i, 0))
    deg_blk = pl.BlockSpec((_R, 16), lambda i: (i, 0))
    w3_blk = pl.BlockSpec((d, 3 * d), lambda i: (0, 0))
    b3_blk = pl.BlockSpec((1, 3 * d), lambda i: (0, 0))
    w_blk = pl.BlockSpec((d, d), lambda i: (0, 0))
    b_blk = pl.BlockSpec((1, d), lambda i: (0, 0))

    in_specs = [row_blk, row_blk, row_blk, row_blk]
    if not first:
        in_specs.append(row_blk)
    in_specs += [deg_blk, deg_blk, w3_blk, w3_blk, b3_blk, b3_blk]
    if not last:
        in_specs += [w_blk, b_blk]
    n_out = 2 if last else 3
    return pl.pallas_call(
        body,
        grid=(n_pad // _R,),
        in_specs=in_specs,
        out_specs=[row_blk] * n_out,
        out_shape=[jax.ShapeDtypeStruct((n_pad, d), jnp.float32)] * n_out,
    )


def kernel(x, edge_index, Wfc, bfc, Wg1, bg1, Wg2, bg2, Wg3, bg3,
           Wih1, Whh1, bih1, bhh1, Wih2, Whh2, bih2, bhh2,
           Wih3, Whh3, bih3, bhh3):
    n = x.shape[0]
    f_in = x.shape[1]
    d = Wfc.shape[0]
    e = edge_index.shape[1]

    n_pad = -(-(n + 1) // _R) * _R
    e_pad = -(-e // (_NW * _CH)) * (_NW * _CH)
    cpt = e_pad // (_NW * _CH)
    rpt = n_pad // _NS

    row = edge_index[0]
    col = edge_index[1]
    fill = jnp.full((e_pad - e,), n, dtype=jnp.int32)
    row3 = jnp.concatenate([row, fill]).reshape(_NW, cpt, _CH)
    col3 = jnp.concatenate([col, fill]).reshape(_NW, cpt, _CH)

    ones16 = jnp.ones((_CH, 16), jnp.float32)
    z16 = jnp.zeros((rpt, 16), jnp.float32)
    zd = jnp.zeros((rpt, d), jnp.float32)

    degp = _make_deg_kernel(n_pad, cpt)(row3, ones16, z16)
    d0, d1 = degp[0], degp[1]

    xp = jnp.zeros((n_pad, d), jnp.float32).at[:n, :f_in].set(x)
    wfcT = jnp.zeros((d, d), jnp.float32).at[:f_in, :].set(Wfc.T)
    h0, s1 = _make_prep_kernel(n_pad, d)(
        xp, wfcT, bfc[None], d0, d1, Wg1.T, bg1[None])

    spmm = _make_spmm_kernel(n_pad, cpt, d)
    layer1 = _make_layer_kernel(n_pad, d, first=True, last=False)
    layer2 = _make_layer_kernel(n_pad, d, first=False, last=False)
    layer3 = _make_layer_kernel(n_pad, d, first=False, last=True)

    p = spmm(s1, row3, col3, zd)
    h1, m1, s2 = layer1(p[0], p[1], s1, h0, d0, d1,
                        Wih1.T, Whh1.T, bih1[None], bhh1[None],
                        Wg2.T, bg2[None])
    p = spmm(s2, row3, col3, zd)
    h2, m2, s3 = layer2(p[0], p[1], s2, h1, m1, d0, d1,
                        Wih2.T, Whh2.T, bih2[None], bhh2[None],
                        Wg3.T, bg3[None])
    p = spmm(s3, row3, col3, zd)
    h3, m3 = layer3(p[0], p[1], s3, h2, m2, d0, d1,
                    Wih3.T, Whh3.T, bih3[None], bhh3[None])
    return m3[:n]

# --- scband reference (transcript-rebuilt; emitter-appended) ---
"""Pipeline reference for scband-encoder-19473381720339 (READ-ONLY COPY).

The authoritative reference and input builder live on the scoring server;
editing this copy changes nothing except your own understanding.
"""

import jax, jax.numpy as jnp
import numpy as np

N = 10000
E = 320000
D = 128


def setup_inputs(seed: int = 0) -> dict:
    key = jax.random.key(seed)
    ks = jax.random.split(key, 32)
    sc = 0.05
    inp = {}
    inp['x'] = jax.random.normal(ks[0], (N, 3), dtype=jnp.float32)
    inp['edge_index'] = jax.random.randint(ks[1], (2, E), 0, N, dtype=jnp.int32)
    # Encoder.fc: Linear(3 -> 128)
    inp['Wfc'] = jax.random.normal(ks[2], (D, 3), dtype=jnp.float32) * sc
    inp['bfc'] = jnp.zeros((D,), dtype=jnp.float32)
    # GCN linear layers (128 -> 128)
    inp['Wg1'] = jax.random.normal(ks[3], (D, D), dtype=jnp.float32) * sc
    inp['bg1'] = jnp.zeros((D,), dtype=jnp.float32)
    inp['Wg2'] = jax.random.normal(ks[4], (D, D), dtype=jnp.float32) * sc
    inp['bg2'] = jnp.zeros((D,), dtype=jnp.float32)
    inp['Wg3'] = jax.random.normal(ks[5], (D, D), dtype=jnp.float32) * sc
    inp['bg3'] = jnp.zeros((D,), dtype=jnp.float32)
    # GRU params: weight_ih [3H, D], weight_hh [3H, H], biases [3H]
    for i, k0 in zip((1, 2, 3), (6, 10, 14)):
        inp['Wih%d' % i] = jax.random.normal(ks[k0], (3 * D, D), dtype=jnp.float32) * sc
        inp['Whh%d' % i] = jax.random.normal(ks[k0 + 1], (3 * D, D), dtype=jnp.float32) * sc
        inp['bih%d' % i] = jnp.zeros((3 * D,), dtype=jnp.float32)
        inp['bhh%d' % i] = jnp.zeros((3 * D,), dtype=jnp.float32)
    return inp


def _gcn(x, edge_index, W, b):
    n = x.shape[0]
    loops = jnp.arange(n, dtype=edge_index.dtype)
    row = jnp.concatenate([edge_index[0], loops])
    col = jnp.concatenate([edge_index[1], loops])
    x = x @ W.T + b
    deg = jnp.zeros((n,), dtype=x.dtype).at[row].add(1.0)
    deg_inv_sqrt = deg ** -0.5
    norm = deg_inv_sqrt[row] * deg_inv_sqrt[col]
    msg = norm[:, None] * x[row]  # x_j = x[source]
    out = jnp.zeros_like(x).at[col].add(msg)  # aggregate at target, aggr='add'
    return out


def _gru_step(x, h, Wih, Whh, bih, bhh):
    gi = x @ Wih.T + bih
    gh = h @ Whh.T + bhh
    i_r, i_z, i_n = jnp.split(gi, 3, axis=1)
    h_r, h_z, h_n = jnp.split(gh, 3, axis=1)
    r = jax.nn.sigmoid(i_r + h_r)
    z = jax.nn.sigmoid(i_z + h_z)
    n = jnp.tanh(i_n + r * h_n)
    return (1.0 - z) * n + z * h


def reference(x, edge_index, Wfc, bfc, Wg1, bg1, Wg2, bg2, Wg3, bg3,
              Wih1, Whh1, bih1, bhh1, Wih2, Whh2, bih2, bhh2,
              Wih3, Whh3, bih3, bhh3):
    x = x @ Wfc.T + bfc
    x = jnp.where(x >= 0, x, 0.01 * x)  # LeakyReLU default slope
    g = _gcn(x, edge_index, Wg1, bg1)
    x1 = _gru_step(g, x, Wih1, Whh1, bih1, bhh1)
    g = _gcn(x1, edge_index, Wg2, bg2)
    x2 = _gru_step(g, x1, Wih2, Whh2, bih2, bhh2)
    g = _gcn(x2, edge_index, Wg3, bg3)
    x3 = _gru_step(g, x2, Wih3, Whh3, bih3, bhh3)
    outs = jnp.stack([x1, x2, x3])
    return jnp.max(outs, axis=0)

if __name__ == "__main__":
    import jax
    _d = setup_inputs()
    print(jax.jit(kernel)(*tuple(_d.values())))

</pallas_src>

<mosaic_0001>
#map = affine_map<(d0, d1) -> (0, 0)>
#map1 = affine_map<(d0, d1) -> (0, 0, 0)>
module attributes {stable_mosaic.version = 14 : i64} {
  func.func @spmm(%arg0: i32, %arg1: i32, %arg2: memref<10240x128xf32, #tpu.memory_space<hbm>>, %arg3: memref<32x79x128xi32, #tpu.memory_space<hbm>>, %arg4: memref<32x79x128xi32, #tpu.memory_space<hbm>>, %arg5: memref<640x128xf32, #tpu.memory_space<hbm>>, %arg6: memref<2x10240x128xf32, #tpu.memory_space<hbm>>, %arg7: memref<79x128xi32, #tpu.memory_space<vmem>>, %arg8: memref<79x128xi32, #tpu.memory_space<vmem>>, %arg9: memref<128x128xf32, #tpu.memory_space<vmem>>, %arg10: memref<10240x128xf32, #tpu.memory_space<vmem_shared>>, %arg11: memref<!tpu.dma_semaphore, #tpu.memory_space<semaphore_mem>>) attributes {dimension_semantics = [#tpu.dimension_semantics<core_parallel>, #tpu.dimension_semantics<subcore_parallel>], iteration_bounds = array<i64: 2, 16>, scalar_prefetch = 0 : i64, scratch_operands = 5 : i64, tpu.core_type = #tpu.core_type<sc_vector_subcore>, window_params = [{transform_indices = #map}, {transform_indices = #map1}, {transform_indices = #map1}, {transform_indices = #map}, {transform_indices = #map1}]} {
    %mul3A = arith.constant 2 : i32
    %mul3A_0 = arith.muli %arg1, %mul3A : i32
    %add3A = arith.addi %mul3A_0, %arg0 : i32
    "tpu.region"() ({
      %run_scoped3A = tpu.sem_alloc : memref<!tpu.dma_semaphore, #tpu.memory_space<semaphore_mem>>
      %dma_start3A = arith.constant 0 : i32
      %dma_start3A_13 = arith.constant 0 : i32
      %dma_start3A_14 = tpu.memref_slice %arg3[%add3A, %dma_start3A, %dma_start3A_13] : memref<32x79x128xi32, #tpu.memory_space<hbm>> -> memref<1x79x128xi32, #tpu.memory_space<hbm>>
      %dma_start3A_15 = tpu.memref_squeeze %dma_start3A_14 : memref<1x79x128xi32, #tpu.memory_space<hbm>> -> memref<79x128xi32, #tpu.memory_space<hbm>>
      %dma_start3A_16 = arith.constant 0 : i32
      %dma_start3A_17 = arith.constant 0 : i32
      %dma_start3A_18 = tpu.memref_slice %arg3[%add3A, %dma_start3A_16, %dma_start3A_17] : memref<32x79x128xi32, #tpu.memory_space<hbm>> -> memref<1x79x128xi32, #tpu.memory_space<hbm>>
      %dma_start3A_19 = tpu.memref_squeeze %dma_start3A_18 : memref<1x79x128xi32, #tpu.memory_space<hbm>> -> memref<79x128xi32, #tpu.memory_space<hbm>>
      tpu.enqueue_dma source(%dma_start3A_19 : memref<79x128xi32, #tpu.memory_space<hbm>>) target(%arg7 : memref<79x128xi32, #tpu.memory_space<vmem>>) target_semaphore(%run_scoped3A : memref<!tpu.dma_semaphore, #tpu.memory_space<semaphore_mem>>)
      %dma_wait3A = arith.constant 0 : i32
      %dma_wait3A_20 = arith.constant 0 : i32
      %dma_wait3A_21 = tpu.memref_slice %arg3[%add3A, %dma_wait3A, %dma_wait3A_20] : memref<32x79x128xi32, #tpu.memory_space<hbm>> -> memref<1x79x128xi32, #tpu.memory_space<hbm>>
      %dma_wait3A_22 = tpu.memref_squeeze %dma_wait3A_21 : memref<1x79x128xi32, #tpu.memory_space<hbm>> -> memref<79x128xi32, #tpu.memory_space<hbm>>
      %dma_wait3A_23 = arith.constant 0 : i32
      %dma_wait3A_24 = arith.constant 0 : i32
      %dma_wait3A_25 = tpu.memref_slice %arg3[%add3A, %dma_wait3A_23, %dma_wait3A_24] : memref<32x79x128xi32, #tpu.memory_space<hbm>> -> memref<1x79x128xi32, #tpu.memory_space<hbm>>
      %dma_wait3A_26 = tpu.memref_squeeze %dma_wait3A_25 : memref<1x79x128xi32, #tpu.memory_space<hbm>> -> memref<79x128xi32, #tpu.memory_space<hbm>>
      tpu.wait_dma2 semaphore(%run_scoped3A : memref<!tpu.dma_semaphore, #tpu.memory_space<semaphore_mem>>) src(%dma_wait3A_26 : memref<79x128xi32, #tpu.memory_space<hbm>>) dst(%arg7 : memref<79x128xi32, #tpu.memory_space<vmem>>)
      tpu.yield
    }) : () -> ()
    "tpu.region"() ({
      %run_scoped3A = tpu.sem_alloc : memref<!tpu.dma_semaphore, #tpu.memory_space<semaphore_mem>>
      %dma_start3A = arith.constant 0 : i32
      %dma_start3A_13 = arith.constant 0 : i32
      %dma_start3A_14 = tpu.memref_slice %arg4[%add3A, %dma_start3A, %dma_start3A_13] : memref<32x79x128xi32, #tpu.memory_space<hbm>> -> memref<1x79x128xi32, #tpu.memory_space<hbm>>
      %dma_start3A_15 = tpu.memref_squeeze %dma_start3A_14 : memref<1x79x128xi32, #tpu.memory_space<hbm>> -> memref<79x128xi32, #tpu.memory_space<hbm>>
      %dma_start3A_16 = arith.constant 0 : i32
      %dma_start3A_17 = arith.constant 0 : i32
      %dma_start3A_18 = tpu.memref_slice %arg4[%add3A, %dma_start3A_16, %dma_start3A_17] : memref<32x79x128xi32, #tpu.memory_space<hbm>> -> memref<1x79x128xi32, #tpu.memory_space<hbm>>
      %dma_start3A_19 = tpu.memref_squeeze %dma_start3A_18 : memref<1x79x128xi32, #tpu.memory_space<hbm>> -> memref<79x128xi32, #tpu.memory_space<hbm>>
      tpu.enqueue_dma source(%dma_start3A_19 : memref<79x128xi32, #tpu.memory_space<hbm>>) target(%arg8 : memref<79x128xi32, #tpu.memory_space<vmem>>) target_semaphore(%run_scoped3A : memref<!tpu.dma_semaphore, #tpu.memory_space<semaphore_mem>>)
      %dma_wait3A = arith.constant 0 : i32
      %dma_wait3A_20 = arith.constant 0 : i32
      %dma_wait3A_21 = tpu.memref_slice %arg4[%add3A, %dma_wait3A, %dma_wait3A_20] : memref<32x79x128xi32, #tpu.memory_space<hbm>> -> memref<1x79x128xi32, #tpu.memory_space<hbm>>
      %dma_wait3A_22 = tpu.memref_squeeze %dma_wait3A_21 : memref<1x79x128xi32, #tpu.memory_space<hbm>> -> memref<79x128xi32, #tpu.memory_space<hbm>>
      %dma_wait3A_23 = arith.constant 0 : i32
      %dma_wait3A_24 = arith.constant 0 : i32
      %dma_wait3A_25 = tpu.memref_slice %arg4[%add3A, %dma_wait3A_23, %dma_wait3A_24] : memref<32x79x128xi32, #tpu.memory_space<hbm>> -> memref<1x79x128xi32, #tpu.memory_space<hbm>>
      %dma_wait3A_26 = tpu.memref_squeeze %dma_wait3A_25 : memref<1x79x128xi32, #tpu.memory_space<hbm>> -> memref<79x128xi32, #tpu.memory_space<hbm>>
      tpu.wait_dma2 semaphore(%run_scoped3A : memref<!tpu.dma_semaphore, #tpu.memory_space<semaphore_mem>>) src(%dma_wait3A_26 : memref<79x128xi32, #tpu.memory_space<hbm>>) dst(%arg8 : memref<79x128xi32, #tpu.memory_space<vmem>>)
      tpu.yield
    }) : () -> ()
    %mul3A_1 = arith.constant 640 : i32
    %mul3A_2 = arith.muli %arg1, %mul3A_1 : i32
    "tpu.region"() ({
      %run_scoped3A = tpu.sem_alloc : memref<!tpu.dma_semaphore, #tpu.memory_space<semaphore_mem>>
      %dma_start3A = arith.constant 0 : i32
      %dma_start3A_13 = tpu.memref_slice %arg10[%mul3A_2, %dma_start3A] : memref<10240x128xf32, #tpu.memory_space<vmem_shared>> -> memref<640x128xf32, #tpu.memory_space<vmem_shared>>
      tpu.enqueue_dma source(%arg5 : memref<640x128xf32, #tpu.memory_space<hbm>>) target(%dma_start3A_13 : memref<640x128xf32, #tpu.memory_space<vmem_shared>>) target_semaphore(%run_scoped3A : memref<!tpu.dma_semaphore, #tpu.memory_space<semaphore_mem>>)
      %dma_wait3A = arith.constant 0 : i32
      %dma_wait3A_14 = tpu.memref_slice %arg10[%mul3A_2, %dma_wait3A] : memref<10240x128xf32, #tpu.memory_space<vmem_shared>> -> memref<640x128xf32, #tpu.memory_space<vmem_shared>>
      tpu.wait_dma2 semaphore(%run_scoped3A : memref<!tpu.dma_semaphore, #tpu.memory_space<semaphore_mem>>) src(%arg5 : memref<640x128xf32, #tpu.memory_space<hbm>>) dst(%dma_wait3A_14 : memref<640x128xf32, #tpu.memory_space<vmem_shared>>)
      tpu.yield
    }) : () -> ()
    %barrier3A = arith.constant 0 : index
    tpu.barrier barrier_id(%barrier3A)
    %scan3A = arith.constant 0 : i32
    %scan3A_3 = arith.constant 0 : i32
    %scan3A_4 = arith.constant 79 : i32
    %scan3A_5 = arith.addi %scan3A_3, %scan3A_4 : i32
    %scan3A_6 = arith.constant 1 : i32
    scf.for %scan3A_13 = %scan3A_3 to %scan3A_5 step %scan3A_6  : i32 {
      %dma_start3A = arith.constant 0 : i32
      %dma_start3A_14 = tpu.memref_slice %arg7[%scan3A_13, %dma_start3A] : memref<79x128xi32, #tpu.memory_space<vmem>> -> memref<1x128xi32, #tpu.memory_space<vmem>>
      %dma_start3A_15 = tpu.memref_squeeze %dma_start3A_14 : memref<1x128xi32, #tpu.memory_space<vmem>> -> memref<128xi32, #tpu.memory_space<vmem>>
      %dma_start3A_16 = arith.constant 0 : i32
      %dma_start3A_17 = arith.constant 0 : i32
      %dma_start3A_18 = tpu.memref_slice %arg2[%dma_start3A_16, %dma_start3A_17] : memref<10240x128xf32, #tpu.memory_space<hbm>> -> memref<10240x128xf32, #tpu.memory_space<hbm>>
      tpu.enqueue_indirect_dma source(%dma_start3A_18 : memref<10240x128xf32, #tpu.memory_space<hbm>>) target(%arg9 : memref<128x128xf32, #tpu.memory_space<vmem>>) offsets(%dma_start3A_15 : memref<128xi32, #tpu.memory_space<vmem>>) semaphore(%arg11 : memref<!tpu.dma_semaphore, #tpu.memory_space<semaphore_mem>>)
      %dma_wait3A = arith.constant 0 : i32
      %dma_wait3A_19 = tpu.memref_slice %arg7[%scan3A_13, %dma_wait3A] : memref<79x128xi32, #tpu.memory_space<vmem>> -> memref<1x128xi32, #tpu.memory_space<vmem>>
      %dma_wait3A_20 = tpu.memref_squeeze %dma_wait3A_19 : memref<1x128xi32, #tpu.memory_space<vmem>> -> memref<128xi32, #tpu.memory_space<vmem>>
      %dma_wait3A_21 = arith.constant 0 : i32
      %dma_wait3A_22 = arith.constant 0 : i32
      %dma_wait3A_23 = tpu.memref_slice %arg2[%dma_wait3A_21, %dma_wait3A_22] : memref<10240x128xf32, #tpu.memory_space<hbm>> -> memref<10240x128xf32, #tpu.memory_space<hbm>>
      tpu.wait_indirect_dma semaphore(%arg11 : memref<!tpu.dma_semaphore, #tpu.memory_space<semaphore_mem>>) src(%dma_wait3A_23 : memref<10240x128xf32, #tpu.memory_space<hbm>>) dst(%arg9 : memref<128x128xf32, #tpu.memory_space<vmem>>)
      "tpu.region"() ({
        %run_scoped3A = tpu.sem_alloc : memref<!tpu.dma_semaphore, #tpu.memory_space<semaphore_mem>>
        %dma_start3A_24 = arith.constant 0 : i32
        %dma_start3A_25 = tpu.memref_slice %arg8[%scan3A_13, %dma_start3A_24] : memref<79x128xi32, #tpu.memory_space<vmem>> -> memref<1x128xi32, #tpu.memory_space<vmem>>
        %dma_start3A_26 = tpu.memref_squeeze %dma_start3A_25 : memref<1x128xi32, #tpu.memory_space<vmem>> -> memref<128xi32, #tpu.memory_space<vmem>>
        %dma_start3A_27 = arith.constant 0 : i32
        %dma_start3A_28 = arith.constant 0 : i32
        %dma_start3A_29 = tpu.memref_slice %arg10[%dma_start3A_27, %dma_start3A_28] : memref<10240x128xf32, #tpu.memory_space<vmem_shared>> -> memref<10240x128xf32, #tpu.memory_space<vmem_shared>>
        tpu.enqueue_indirect_dma source(%arg9 : memref<128x128xf32, #tpu.memory_space<vmem>>) target(%dma_start3A_29 : memref<10240x128xf32, #tpu.memory_space<vmem_shared>>) offsets(%dma_start3A_26 : memref<128xi32, #tpu.memory_space<vmem>>) semaphore(%run_scoped3A : memref<!tpu.dma_semaphore, #tpu.memory_space<semaphore_mem>>) {add = true}
        %dma_wait3A_30 = arith.constant 0 : i32
        %dma_wait3A_31 = tpu.memref_slice %arg8[%scan3A_13, %dma_wait3A_30] : memref<79x128xi32, #tpu.memory_space<vmem>> -> memref<1x128xi32, #tpu.memory_space<vmem>>
        %dma_wait3A_32 = tpu.memref_squeeze %dma_wait3A_31 : memref<1x128xi32, #tpu.memory_space<vmem>> -> memref<128xi32, #tpu.memory_space<vmem>>
        %dma_wait3A_33 = arith.constant 0 : i32
        %dma_wait3A_34 = arith.constant 0 : i32
        %dma_wait3A_35 = tpu.memref_slice %arg10[%dma_wait3A_33, %dma_wait3A_34] : memref<10240x128xf32, #tpu.memory_space<vmem_shared>> -> memref<10240x128xf32, #tpu.memory_space<vmem_shared>>
        tpu.wait_indirect_dma semaphore(%run_scoped3A : memref<!tpu.dma_semaphore, #tpu.memory_space<semaphore_mem>>) src(%arg9 : memref<128x128xf32, #tpu.memory_space<vmem>>) dst(%dma_wait3A_35 : memref<10240x128xf32, #tpu.memory_space<vmem_shared>>)
        tpu.yield
      }) : () -> ()
    }
    %scan3A_7 = arith.constant 79 : i32
    %barrier3A_8 = arith.constant 0 : index
    tpu.barrier barrier_id(%barrier3A_8)
    %mul3A_9 = arith.constant 640 : i32
    %mul3A_10 = arith.muli %arg1, %mul3A_9 : i32
    %mul3A_11 = arith.constant 640 : i32
    %mul3A_12 = arith.muli %arg1, %mul3A_11 : i32
    "tpu.region"() ({
      %run_scoped3A = tpu.sem_alloc : memref<!tpu.dma_semaphore, #tpu.memory_space<semaphore_mem>>
      %dma_start3A = arith.constant 0 : i32
      %dma_start3A_13 = tpu.memref_slice %arg6[%arg0, %mul3A_12, %dma_start3A] : memref<2x10240x128xf32, #tpu.memory_space<hbm>> -> memref<1x640x128xf32, #tpu.memory_space<hbm>>
      %dma_start3A_14 = tpu.memref_squeeze %dma_start3A_13 : memref<1x640x128xf32, #tpu.memory_space<hbm>> -> memref<640x128xf32, #tpu.memory_space<hbm>>
      %dma_start3A_15 = arith.constant 0 : i32
      %dma_start3A_16 = tpu.memref_slice %arg10[%mul3A_10, %dma_start3A_15] : memref<10240x128xf32, #tpu.memory_space<vmem_shared>> -> memref<640x128xf32, #tpu.memory_space<vmem_shared>>
      tpu.enqueue_dma source(%dma_start3A_16 : memref<640x128xf32, #tpu.memory_space<vmem_shared>>) target(%dma_start3A_14 : memref<640x128xf32, #tpu.memory_space<hbm>>) target_semaphore(%run_scoped3A : memref<!tpu.dma_semaphore, #tpu.memory_space<semaphore_mem>>)
      %dma_wait3A = arith.constant 0 : i32
      %dma_wait3A_17 = tpu.memref_slice %arg6[%arg0, %mul3A_12, %dma_wait3A] : memref<2x10240x128xf32, #tpu.memory_space<hbm>> -> memref<1x640x128xf32, #tpu.memory_space<hbm>>
      %dma_wait3A_18 = tpu.memref_squeeze %dma_wait3A_17 : memref<1x640x128xf32, #tpu.memory_space<hbm>> -> memref<640x128xf32, #tpu.memory_space<hbm>>
      %dma_wait3A_19 = arith.constant 0 : i32
      %dma_wait3A_20 = tpu.memref_slice %arg10[%mul3A_10, %dma_wait3A_19] : memref<10240x128xf32, #tpu.memory_space<vmem_shared>> -> memref<640x128xf32, #tpu.memory_space<vmem_shared>>
      tpu.wait_dma2 semaphore(%run_scoped3A : memref<!tpu.dma_semaphore, #tpu.memory_space<semaphore_mem>>) src(%dma_wait3A_20 : memref<640x128xf32, #tpu.memory_space<vmem_shared>>) dst(%dma_wait3A_18 : memref<640x128xf32, #tpu.memory_space<hbm>>)
      tpu.yield
    }) : () -> ()
    return
  }
}

#map = affine_map<(d0, d1) -> (0, 0, 0)>
#map1 = affine_map<(d0, d1) -> (0, 0)>
module attributes {stable_mosaic.version = 14 : i64} {
  func.func @deg_kernel(%arg0: i32, %arg1: i32, %arg2: memref<32x79x128xi32, #tpu.memory_space<hbm>>, %arg3: memref<128x16xf32, #tpu.memory_space<hbm>>, %arg4: memref<640x16xf32, #tpu.memory_space<hbm>>, %arg5: memref<2x10240x16xf32, #tpu.memory_space<hbm>>, %arg6: memref<79x128xi32, #tpu.memory_space<vmem>>, %arg7: memref<128x16xf32, #tpu.memory_space<vmem>>, %arg8: memref<10240x16xf32, #tpu.memory_space<vmem_shared>>, %arg9: memref<!tpu.dma_semaphore, #tpu.memory_space<semaphore_mem>>) attributes {dimension_semantics = [#tpu.dimension_semantics<core_parallel>, #tpu.dimension_semantics<subcore_parallel>], iteration_bounds = array<i64: 2, 16>, scalar_prefetch = 0 : i64, scratch_operands = 4 : i64, tpu.core_type = #tpu.core_type<sc_vector_subcore>, window_params = [{transform_indices = #map}, {transform_indices = #map1}, {transform_indices = #map1}, {transform_indices = #map}]} {
    %mul3A = arith.constant 2 : i32
    %mul3A_0 = arith.muli %arg1, %mul3A : i32
    %add3A = arith.addi %mul3A_0, %arg0 : i32
    "tpu.region"() ({
      %run_scoped3A = tpu.sem_alloc : memref<!tpu.dma_semaphore, #tpu.memory_space<semaphore_mem>>
      %dma_start3A = arith.constant 0 : i32
      %dma_start3A_13 = arith.constant 0 : i32
      %dma_start3A_14 = tpu.memref_slice %arg2[%add3A, %dma_start3A, %dma_start3A_13] : memref<32x79x128xi32, #tpu.memory_space<hbm>> -> memref<1x79x128xi32, #tpu.memory_space<hbm>>
      %dma_start3A_15 = tpu.memref_squeeze %dma_start3A_14 : memref<1x79x128xi32, #tpu.memory_space<hbm>> -> memref<79x128xi32, #tpu.memory_space<hbm>>
      %dma_start3A_16 = arith.constant 0 : i32
      %dma_start3A_17 = arith.constant 0 : i32
      %dma_start3A_18 = tpu.memref_slice %arg2[%add3A, %dma_start3A_16, %dma_start3A_17] : memref<32x79x128xi32, #tpu.memory_space<hbm>> -> memref<1x79x128xi32, #tpu.memory_space<hbm>>
      %dma_start3A_19 = tpu.memref_squeeze %dma_start3A_18 : memref<1x79x128xi32, #tpu.memory_space<hbm>> -> memref<79x128xi32, #tpu.memory_space<hbm>>
      tpu.enqueue_dma source(%dma_start3A_19 : memref<79x128xi32, #tpu.memory_space<hbm>>) target(%arg6 : memref<79x128xi32, #tpu.memory_space<vmem>>) target_semaphore(%run_scoped3A : memref<!tpu.dma_semaphore, #tpu.memory_space<semaphore_mem>>)
      %dma_wait3A = arith.constant 0 : i32
      %dma_wait3A_20 = arith.constant 0 : i32
      %dma_wait3A_21 = tpu.memref_slice %arg2[%add3A, %dma_wait3A, %dma_wait3A_20] : memref<32x79x128xi32, #tpu.memory_space<hbm>> -> memref<1x79x128xi32, #tpu.memory_space<hbm>>
      %dma_wait3A_22 = tpu.memref_squeeze %dma_wait3A_21 : memref<1x79x128xi32, #tpu.memory_space<hbm>> -> memref<79x128xi32, #tpu.memory_space<hbm>>
      %dma_wait3A_23 = arith.constant 0 : i32
      %dma_wait3A_24 = arith.constant 0 : i32
      %dma_wait3A_25 = tpu.memref_slice %arg2[%add3A, %dma_wait3A_23, %dma_wait3A_24] : memref<32x79x128xi32, #tpu.memory_space<hbm>> -> memref<1x79x128xi32, #tpu.memory_space<hbm>>
      %dma_wait3A_26 = tpu.memref_squeeze %dma_wait3A_25 : memref<1x79x128xi32, #tpu.memory_space<hbm>> -> memref<79x128xi32, #tpu.memory_space<hbm>>
      tpu.wait_dma2 semaphore(%run_scoped3A : memref<!tpu.dma_semaphore, #tpu.memory_space<semaphore_mem>>) src(%dma_wait3A_26 : memref<79x128xi32, #tpu.memory_space<hbm>>) dst(%arg6 : memref<79x128xi32, #tpu.memory_space<vmem>>)
      tpu.yield
    }) : () -> ()
    "tpu.region"() ({
      %run_scoped3A = tpu.sem_alloc : memref<!tpu.dma_semaphore, #tpu.memory_space<semaphore_mem>>
      tpu.enqueue_dma source(%arg3 : memref<128x16xf32, #tpu.memory_space<hbm>>) target(%arg7 : memref<128x16xf32, #tpu.memory_space<vmem>>) target_semaphore(%run_scoped3A : memref<!tpu.dma_semaphore, #tpu.memory_space<semaphore_mem>>)
      tpu.wait_dma2 semaphore(%run_scoped3A : memref<!tpu.dma_semaphore, #tpu.memory_space<semaphore_mem>>) src(%arg3 : memref<128x16xf32, #tpu.memory_space<hbm>>) dst(%arg7 : memref<128x16xf32, #tpu.memory_space<vmem>>)
      tpu.yield
    }) : () -> ()
    %mul3A_1 = arith.constant 640 : i32
    %mul3A_2 = arith.muli %arg1, %mul3A_1 : i32
    "tpu.region"() ({
      %run_scoped3A = tpu.sem_alloc : memref<!tpu.dma_semaphore, #tpu.memory_space<semaphore_mem>>
      %dma_start3A = arith.constant 0 : i32
      %dma_start3A_13 = tpu.memref_slice %arg8[%mul3A_2, %dma_start3A] : memref<10240x16xf32, #tpu.memory_space<vmem_shared>> -> memref<640x16xf32, #tpu.memory_space<vmem_shared>>
      tpu.enqueue_dma source(%arg4 : memref<640x16xf32, #tpu.memory_space<hbm>>) target(%dma_start3A_13 : memref<640x16xf32, #tpu.memory_space<vmem_shared>>) target_semaphore(%run_scoped3A : memref<!tpu.dma_semaphore, #tpu.memory_space<semaphore_mem>>)
      %dma_wait3A = arith.constant 0 : i32
      %dma_wait3A_14 = tpu.memref_slice %arg8[%mul3A_2, %dma_wait3A] : memref<10240x16xf32, #tpu.memory_space<vmem_shared>> -> memref<640x16xf32, #tpu.memory_space<vmem_shared>>
      tpu.wait_dma2 semaphore(%run_scoped3A : memref<!tpu.dma_semaphore, #tpu.memory_space<semaphore_mem>>) src(%arg4 : memref<640x16xf32, #tpu.memory_space<hbm>>) dst(%dma_wait3A_14 : memref<640x16xf32, #tpu.memory_space<vmem_shared>>)
      tpu.yield
    }) : () -> ()
    %barrier3A = arith.constant 0 : index
    tpu.barrier barrier_id(%barrier3A)
    %scan3A = arith.constant 0 : i32
    %scan3A_3 = arith.constant 0 : i32
    %scan3A_4 = arith.constant 79 : i32
    %scan3A_5 = arith.addi %scan3A_3, %scan3A_4 : i32
    %scan3A_6 = arith.constant 1 : i32
    scf.for %scan3A_13 = %scan3A_3 to %scan3A_5 step %scan3A_6  : i32 {
      "tpu.region"() ({
        %run_scoped3A = tpu.sem_alloc : memref<!tpu.dma_semaphore, #tpu.memory_space<semaphore_mem>>
        %dma_start3A = arith.constant 0 : i32
        %dma_start3A_14 = tpu.memref_slice %arg6[%scan3A_13, %dma_start3A] : memref<79x128xi32, #tpu.memory_space<vmem>> -> memref<1x128xi32, #tpu.memory_space<vmem>>
        %dma_start3A_15 = tpu.memref_squeeze %dma_start3A_14 : memref<1x128xi32, #tpu.memory_space<vmem>> -> memref<128xi32, #tpu.memory_space<vmem>>
        %dma_start3A_16 = arith.constant 0 : i32
        %dma_start3A_17 = arith.constant 0 : i32
        %dma_start3A_18 = tpu.memref_slice %arg8[%dma_start3A_16, %dma_start3A_17] : memref<10240x16xf32, #tpu.memory_space<vmem_shared>> -> memref<10240x16xf32, #tpu.memory_space<vmem_shared>>
        tpu.enqueue_indirect_dma source(%arg7 : memref<128x16xf32, #tpu.memory_space<vmem>>) target(%dma_start3A_18 : memref<10240x16xf32, #tpu.memory_space<vmem_shared>>) offsets(%dma_start3A_15 : memref<128xi32, #tpu.memory_space<vmem>>) semaphore(%run_scoped3A : memref<!tpu.dma_semaphore, #tpu.memory_space<semaphore_mem>>) {add = true}
        %dma_wait3A = arith.constant 0 : i32
        %dma_wait3A_19 = tpu.memref_slice %arg6[%scan3A_13, %dma_wait3A] : memref<79x128xi32, #tpu.memory_space<vmem>> -> memref<1x128xi32, #tpu.memory_space<vmem>>
        %dma_wait3A_20 = tpu.memref_squeeze %dma_wait3A_19 : memref<1x128xi32, #tpu.memory_space<vmem>> -> memref<128xi32, #tpu.memory_space<vmem>>
        %dma_wait3A_21 = arith.constant 0 : i32
        %dma_wait3A_22 = arith.constant 0 : i32
        %dma_wait3A_23 = tpu.memref_slice %arg8[%dma_wait3A_21, %dma_wait3A_22] : memref<10240x16xf32, #tpu.memory_space<vmem_shared>> -> memref<10240x16xf32, #tpu.memory_space<vmem_shared>>
        tpu.wait_indirect_dma semaphore(%run_scoped3A : memref<!tpu.dma_semaphore, #tpu.memory_space<semaphore_mem>>) src(%arg7 : memref<128x16xf32, #tpu.memory_space<vmem>>) dst(%dma_wait3A_23 : memref<10240x16xf32, #tpu.memory_space<vmem_shared>>)
        tpu.yield
      }) : () -> ()
    }
    %scan3A_7 = arith.constant 79 : i32
    %barrier3A_8 = arith.constant 0 : index
    tpu.barrier barrier_id(%barrier3A_8)
    %mul3A_9 = arith.constant 640 : i32
    %mul3A_10 = arith.muli %arg1, %mul3A_9 : i32
    %mul3A_11 = arith.constant 640 : i32
    %mul3A_12 = arith.muli %arg1, %mul3A_11 : i32
    "tpu.region"() ({
      %run_scoped3A = tpu.sem_alloc : memref<!tpu.dma_semaphore, #tpu.memory_space<semaphore_mem>>
      %dma_start3A = arith.constant 0 : i32
      %dma_start3A_13 = tpu.memref_slice %arg5[%arg0, %mul3A_12, %dma_start3A] : memref<2x10240x16xf32, #tpu.memory_space<hbm>> -> memref<1x640x16xf32, #tpu.memory_space<hbm>>
      %dma_start3A_14 = tpu.memref_squeeze %dma_start3A_13 : memref<1x640x16xf32, #tpu.memory_space<hbm>> -> memref<640x16xf32, #tpu.memory_space<hbm>>
      %dma_start3A_15 = arith.constant 0 : i32
      %dma_start3A_16 = tpu.memref_slice %arg8[%mul3A_10, %dma_start3A_15] : memref<10240x16xf32, #tpu.memory_space<vmem_shared>> -> memref<640x16xf32, #tpu.memory_space<vmem_shared>>
      tpu.enqueue_dma source(%dma_start3A_16 : memref<640x16xf32, #tpu.memory_space<vmem_shared>>) target(%dma_start3A_14 : memref<640x16xf32, #tpu.memory_space<hbm>>) target_semaphore(%run_scoped3A : memref<!tpu.dma_semaphore, #tpu.memory_space<semaphore_mem>>)
      %dma_wait3A = arith.constant 0 : i32
      %dma_wait3A_17 = tpu.memref_slice %arg5[%arg0, %mul3A_12, %dma_wait3A] : memref<2x10240x16xf32, #tpu.memory_space<hbm>> -> memref<1x640x16xf32, #tpu.memory_space<hbm>>
      %dma_wait3A_18 = tpu.memref_squeeze %dma_wait3A_17 : memref<1x640x16xf32, #tpu.memory_space<hbm>> -> memref<640x16xf32, #tpu.memory_space<hbm>>
      %dma_wait3A_19 = arith.constant 0 : i32
      %dma_wait3A_20 = tpu.memref_slice %arg8[%mul3A_10, %dma_wait3A_19] : memref<10240x16xf32, #tpu.memory_space<vmem_shared>> -> memref<640x16xf32, #tpu.memory_space<vmem_shared>>
      tpu.wait_dma2 semaphore(%run_scoped3A : memref<!tpu.dma_semaphore, #tpu.memory_space<semaphore_mem>>) src(%dma_wait3A_20 : memref<640x16xf32, #tpu.memory_space<vmem_shared>>) dst(%dma_wait3A_18 : memref<640x16xf32, #tpu.memory_space<hbm>>)
      tpu.yield
    }) : () -> ()
    return
  }
}

#map = affine_map<(d0, d1) -> (0, 0)>
#map1 = affine_map<(d0, d1) -> (0, 0, 0)>
module attributes {stable_mosaic.version = 14 : i64} {
  func.func @spmm(%arg0: i32, %arg1: i32, %arg2: memref<10240x128xf32, #tpu.memory_space<hbm>>, %arg3: memref<32x79x128xi32, #tpu.memory_space<hbm>>, %arg4: memref<32x79x128xi32, #tpu.memory_space<hbm>>, %arg5: memref<640x128xf32, #tpu.memory_space<hbm>>, %arg6: memref<2x10240x128xf32, #tpu.memory_space<hbm>>, %arg7: memref<79x128xi32, #tpu.memory_space<vmem>>, %arg8: memref<79x128xi32, #tpu.memory_space<vmem>>, %arg9: memref<128x128xf32, #tpu.memory_space<vmem>>, %arg10: memref<10240x128xf32, #tpu.memory_space<vmem_shared>>, %arg11: memref<!tpu.dma_semaphore, #tpu.memory_space<semaphore_mem>>) attributes {dimension_semantics = [#tpu.dimension_semantics<core_parallel>, #tpu.dimension_semantics<subcore_parallel>], iteration_bounds = array<i64: 2, 16>, scalar_prefetch = 0 : i64, scratch_operands = 5 : i64, tpu.core_type = #tpu.core_type<sc_vector_subcore>, window_params = [{transform_indices = #map}, {transform_indices = #map1}, {transform_indices = #map1}, {transform_indices = #map}, {transform_indices = #map1}]} {
    %mul3A = arith.constant 2 : i32
    %mul3A_0 = arith.muli %arg1, %mul3A : i32
    %add3A = arith.addi %mul3A_0, %arg0 : i32
    "tpu.region"() ({
      %run_scoped3A = tpu.sem_alloc : memref<!tpu.dma_semaphore, #tpu.memory_space<semaphore_mem>>
      %dma_start3A = arith.constant 0 : i32
      %dma_start3A_13 = arith.constant 0 : i32
      %dma_start3A_14 = tpu.memref_slice %arg3[%add3A, %dma_start3A, %dma_start3A_13] : memref<32x79x128xi32, #tpu.memory_space<hbm>> -> memref<1x79x128xi32, #tpu.memory_space<hbm>>
      %dma_start3A_15 = tpu.memref_squeeze %dma_start3A_14 : memref<1x79x128xi32, #tpu.memory_space<hbm>> -> memref<79x128xi32, #tpu.memory_space<hbm>>
      %dma_start3A_16 = arith.constant 0 : i32
      %dma_start3A_17 = arith.constant 0 : i32
      %dma_start3A_18 = tpu.memref_slice %arg3[%add3A, %dma_start3A_16, %dma_start3A_17] : memref<32x79x128xi32, #tpu.memory_space<hbm>> -> memref<1x79x128xi32, #tpu.memory_space<hbm>>
      %dma_start3A_19 = tpu.memref_squeeze %dma_start3A_18 : memref<1x79x128xi32, #tpu.memory_space<hbm>> -> memref<79x128xi32, #tpu.memory_space<hbm>>
      tpu.enqueue_dma source(%dma_start3A_19 : memref<79x128xi32, #tpu.memory_space<hbm>>) target(%arg7 : memref<79x128xi32, #tpu.memory_space<vmem>>) target_semaphore(%run_scoped3A : memref<!tpu.dma_semaphore, #tpu.memory_space<semaphore_mem>>)
      %dma_wait3A = arith.constant 0 : i32
      %dma_wait3A_20 = arith.constant 0 : i32
      %dma_wait3A_21 = tpu.memref_slice %arg3[%add3A, %dma_wait3A, %dma_wait3A_20] : memref<32x79x128xi32, #tpu.memory_space<hbm>> -> memref<1x79x128xi32, #tpu.memory_space<hbm>>
      %dma_wait3A_22 = tpu.memref_squeeze %dma_wait3A_21 : memref<1x79x128xi32, #tpu.memory_space<hbm>> -> memref<79x128xi32, #tpu.memory_space<hbm>>
      %dma_wait3A_23 = arith.constant 0 : i32
      %dma_wait3A_24 = arith.constant 0 : i32
      %dma_wait3A_25 = tpu.memref_slice %arg3[%add3A, %dma_wait3A_23, %dma_wait3A_24] : memref<32x79x128xi32, #tpu.memory_space<hbm>> -> memref<1x79x128xi32, #tpu.memory_space<hbm>>
      %dma_wait3A_26 = tpu.memref_squeeze %dma_wait3A_25 : memref<1x79x128xi32, #tpu.memory_space<hbm>> -> memref<79x128xi32, #tpu.memory_space<hbm>>
      tpu.wait_dma2 semaphore(%run_scoped3A : memref<!tpu.dma_semaphore, #tpu.memory_space<semaphore_mem>>) src(%dma_wait3A_26 : memref<79x128xi32, #tpu.memory_space<hbm>>) dst(%arg7 : memref<79x128xi32, #tpu.memory_space<vmem>>)
      tpu.yield
    }) : () -> ()
    "tpu.region"() ({
      %run_scoped3A = tpu.sem_alloc : memref<!tpu.dma_semaphore, #tpu.memory_space<semaphore_mem>>
      %dma_start3A = arith.constant 0 : i32
      %dma_start3A_13 = arith.constant 0 : i32
      %dma_start3A_14 = tpu.memref_slice %arg4[%add3A, %dma_start3A, %dma_start3A_13] : memref<32x79x128xi32, #tpu.memory_space<hbm>> -> memref<1x79x128xi32, #tpu.memory_space<hbm>>
      %dma_start3A_15 = tpu.memref_squeeze %dma_start3A_14 : memref<1x79x128xi32, #tpu.memory_space<hbm>> -> memref<79x128xi32, #tpu.memory_space<hbm>>
      %dma_start3A_16 = arith.constant 0 : i32
      %dma_start3A_17 = arith.constant 0 : i32
      %dma_start3A_18 = tpu.memref_slice %arg4[%add3A, %dma_start3A_16, %dma_start3A_17] : memref<32x79x128xi32, #tpu.memory_space<hbm>> -> memref<1x79x128xi32, #tpu.memory_space<hbm>>
      %dma_start3A_19 = tpu.memref_squeeze %dma_start3A_18 : memref<1x79x128xi32, #tpu.memory_space<hbm>> -> memref<79x128xi32, #tpu.memory_space<hbm>>
      tpu.enqueue_dma source(%dma_start3A_19 : memref<79x128xi32, #tpu.memory_space<hbm>>) target(%arg8 : memref<79x128xi32, #tpu.memory_space<vmem>>) target_semaphore(%run_scoped3A : memref<!tpu.dma_semaphore, #tpu.memory_space<semaphore_mem>>)
      %dma_wait3A = arith.constant 0 : i32
      %dma_wait3A_20 = arith.constant 0 : i32
      %dma_wait3A_21 = tpu.memref_slice %arg4[%add3A, %dma_wait3A, %dma_wait3A_20] : memref<32x79x128xi32, #tpu.memory_space<hbm>> -> memref<1x79x128xi32, #tpu.memory_space<hbm>>
      %dma_wait3A_22 = tpu.memref_squeeze %dma_wait3A_21 : memref<1x79x128xi32, #tpu.memory_space<hbm>> -> memref<79x128xi32, #tpu.memory_space<hbm>>
      %dma_wait3A_23 = arith.constant 0 : i32
      %dma_wait3A_24 = arith.constant 0 : i32
      %dma_wait3A_25 = tpu.memref_slice %arg4[%add3A, %dma_wait3A_23, %dma_wait3A_24] : memref<32x79x128xi32, #tpu.memory_space<hbm>> -> memref<1x79x128xi32, #tpu.memory_space<hbm>>
      %dma_wait3A_26 = tpu.memref_squeeze %dma_wait3A_25 : memref<1x79x128xi32, #tpu.memory_space<hbm>> -> memref<79x128xi32, #tpu.memory_space<hbm>>
      tpu.wait_dma2 semaphore(%run_scoped3A : memref<!tpu.dma_semaphore, #tpu.memory_space<semaphore_mem>>) src(%dma_wait3A_26 : memref<79x128xi32, #tpu.memory_space<hbm>>) dst(%arg8 : memref<79x128xi32, #tpu.memory_space<vmem>>)
      tpu.yield
    }) : () -> ()
    %mul3A_1 = arith.constant 640 : i32
    %mul3A_2 = arith.muli %arg1, %mul3A_1 : i32
    "tpu.region"() ({
      %run_scoped3A = tpu.sem_alloc : memref<!tpu.dma_semaphore, #tpu.memory_space<semaphore_mem>>
      %dma_start3A = arith.constant 0 : i32
      %dma_start3A_13 = tpu.memref_slice %arg10[%mul3A_2, %dma_start3A] : memref<10240x128xf32, #tpu.memory_space<vmem_shared>> -> memref<640x128xf32, #tpu.memory_space<vmem_shared>>
      tpu.enqueue_dma source(%arg5 : memref<640x128xf32, #tpu.memory_space<hbm>>) target(%dma_start3A_13 : memref<640x128xf32, #tpu.memory_space<vmem_shared>>) target_semaphore(%run_scoped3A : memref<!tpu.dma_semaphore, #tpu.memory_space<semaphore_mem>>)
      %dma_wait3A = arith.constant 0 : i32
      %dma_wait3A_14 = tpu.memref_slice %arg10[%mul3A_2, %dma_wait3A] : memref<10240x128xf32, #tpu.memory_space<vmem_shared>> -> memref<640x128xf32, #tpu.memory_space<vmem_shared>>
      tpu.wait_dma2 semaphore(%run_scoped3A : memref<!tpu.dma_semaphore, #tpu.memory_space<semaphore_mem>>) src(%arg5 : memref<640x128xf32, #tpu.memory_space<hbm>>) dst(%dma_wait3A_14 : memref<640x128xf32, #tpu.memory_space<vmem_shared>>)
      tpu.yield
    }) : () -> ()
    %barrier3A = arith.constant 0 : index
    tpu.barrier barrier_id(%barrier3A)
    %scan3A = arith.constant 0 : i32
    %scan3A_3 = arith.constant 0 : i32
    %scan3A_4 = arith.constant 79 : i32
    %scan3A_5 = arith.addi %scan3A_3, %scan3A_4 : i32
    %scan3A_6 = arith.constant 1 : i32
    scf.for %scan3A_13 = %scan3A_3 to %scan3A_5 step %scan3A_6  : i32 {
      %dma_start3A = arith.constant 0 : i32
      %dma_start3A_14 = tpu.memref_slice %arg7[%scan3A_13, %dma_start3A] : memref<79x128xi32, #tpu.memory_space<vmem>> -> memref<1x128xi32, #tpu.memory_space<vmem>>
      %dma_start3A_15 = tpu.memref_squeeze %dma_start3A_14 : memref<1x128xi32, #tpu.memory_space<vmem>> -> memref<128xi32, #tpu.memory_space<vmem>>
      %dma_start3A_16 = arith.constant 0 : i32
      %dma_start3A_17 = arith.constant 0 : i32
      %dma_start3A_18 = tpu.memref_slice %arg2[%dma_start3A_16, %dma_start3A_17] : memref<10240x128xf32, #tpu.memory_space<hbm>> -> memref<10240x128xf32, #tpu.memory_space<hbm>>
      tpu.enqueue_indirect_dma source(%dma_start3A_18 : memref<10240x128xf32, #tpu.memory_space<hbm>>) target(%arg9 : memref<128x128xf32, #tpu.memory_space<vmem>>) offsets(%dma_start3A_15 : memref<128xi32, #tpu.memory_space<vmem>>) semaphore(%arg11 : memref<!tpu.dma_semaphore, #tpu.memory_space<semaphore_mem>>)
      %dma_wait3A = arith.constant 0 : i32
      %dma_wait3A_19 = tpu.memref_slice %arg7[%scan3A_13, %dma_wait3A] : memref<79x128xi32, #tpu.memory_space<vmem>> -> memref<1x128xi32, #tpu.memory_space<vmem>>
      %dma_wait3A_20 = tpu.memref_squeeze %dma_wait3A_19 : memref<1x128xi32, #tpu.memory_space<vmem>> -> memref<128xi32, #tpu.memory_space<vmem>>
      %dma_wait3A_21 = arith.constant 0 : i32
      %dma_wait3A_22 = arith.constant 0 : i32
      %dma_wait3A_23 = tpu.memref_slice %arg2[%dma_wait3A_21, %dma_wait3A_22] : memref<10240x128xf32, #tpu.memory_space<hbm>> -> memref<10240x128xf32, #tpu.memory_space<hbm>>
      tpu.wait_indirect_dma semaphore(%arg11 : memref<!tpu.dma_semaphore, #tpu.memory_space<semaphore_mem>>) src(%dma_wait3A_23 : memref<10240x128xf32, #tpu.memory_space<hbm>>) dst(%arg9 : memref<128x128xf32, #tpu.memory_space<vmem>>)
      "tpu.region"() ({
        %run_scoped3A = tpu.sem_alloc : memref<!tpu.dma_semaphore, #tpu.memory_space<semaphore_mem>>
        %dma_start3A_24 = arith.constant 0 : i32
        %dma_start3A_25 = tpu.memref_slice %arg8[%scan3A_13, %dma_start3A_24] : memref<79x128xi32, #tpu.memory_space<vmem>> -> memref<1x128xi32, #tpu.memory_space<vmem>>
        %dma_start3A_26 = tpu.memref_squeeze %dma_start3A_25 : memref<1x128xi32, #tpu.memory_space<vmem>> -> memref<128xi32, #tpu.memory_space<vmem>>
        %dma_start3A_27 = arith.constant 0 : i32
        %dma_start3A_28 = arith.constant 0 : i32
        %dma_start3A_29 = tpu.memref_slice %arg10[%dma_start3A_27, %dma_start3A_28] : memref<10240x128xf32, #tpu.memory_space<vmem_shared>> -> memref<10240x128xf32, #tpu.memory_space<vmem_shared>>
        tpu.enqueue_indirect_dma source(%arg9 : memref<128x128xf32, #tpu.memory_space<vmem>>) target(%dma_start3A_29 : memref<10240x128xf32, #tpu.memory_space<vmem_shared>>) offsets(%dma_start3A_26 : memref<128xi32, #tpu.memory_space<vmem>>) semaphore(%run_scoped3A : memref<!tpu.dma_semaphore, #tpu.memory_space<semaphore_mem>>) {add = true}
        %dma_wait3A_30 = arith.constant 0 : i32
        %dma_wait3A_31 = tpu.memref_slice %arg8[%scan3A_13, %dma_wait3A_30] : memref<79x128xi32, #tpu.memory_space<vmem>> -> memref<1x128xi32, #tpu.memory_space<vmem>>
        %dma_wait3A_32 = tpu.memref_squeeze %dma_wait3A_31 : memref<1x128xi32, #tpu.memory_space<vmem>> -> memref<128xi32, #tpu.memory_space<vmem>>
        %dma_wait3A_33 = arith.constant 0 : i32
        %dma_wait3A_34 = arith.constant 0 : i32
        %dma_wait3A_35 = tpu.memref_slice %arg10[%dma_wait3A_33, %dma_wait3A_34] : memref<10240x128xf32, #tpu.memory_space<vmem_shared>> -> memref<10240x128xf32, #tpu.memory_space<vmem_shared>>
        tpu.wait_indirect_dma semaphore(%run_scoped3A : memref<!tpu.dma_semaphore, #tpu.memory_space<semaphore_mem>>) src(%arg9 : memref<128x128xf32, #tpu.memory_space<vmem>>) dst(%dma_wait3A_35 : memref<10240x128xf32, #tpu.memory_space<vmem_shared>>)
        tpu.yield
      }) : () -> ()
    }
    %scan3A_7 = arith.constant 79 : i32
    %barrier3A_8 = arith.constant 0 : index
    tpu.barrier barrier_id(%barrier3A_8)
    %mul3A_9 = arith.constant 640 : i32
    %mul3A_10 = arith.muli %arg1, %mul3A_9 : i32
    %mul3A_11 = arith.constant 640 : i32
    %mul3A_12 = arith.muli %arg1, %mul3A_11 : i32
    "tpu.region"() ({
      %run_scoped3A = tpu.sem_alloc : memref<!tpu.dma_semaphore, #tpu.memory_space<semaphore_mem>>
      %dma_start3A = arith.constant 0 : i32
      %dma_start3A_13 = tpu.memref_slice %arg6[%arg0, %mul3A_12, %dma_start3A] : memref<2x10240x128xf32, #tpu.memory_space<hbm>> -> memref<1x640x128xf32, #tpu.memory_space<hbm>>
      %dma_start3A_14 = tpu.memref_squeeze %dma_start3A_13 : memref<1x640x128xf32, #tpu.memory_space<hbm>> -> memref<640x128xf32, #tpu.memory_space<hbm>>
      %dma_start3A_15 = arith.constant 0 : i32
      %dma_start3A_16 = tpu.memref_slice %arg10[%mul3A_10, %dma_start3A_15] : memref<10240x128xf32, #tpu.memory_space<vmem_shared>> -> memref<640x128xf32, #tpu.memory_space<vmem_shared>>
      tpu.enqueue_dma source(%dma_start3A_16 : memref<640x128xf32, #tpu.memory_space<vmem_shared>>) target(%dma_start3A_14 : memref<640x128xf32, #tpu.memory_space<hbm>>) target_semaphore(%run_scoped3A : memref<!tpu.dma_semaphore, #tpu.memory_space<semaphore_mem>>)
      %dma_wait3A = arith.constant 0 : i32
      %dma_wait3A_17 = tpu.memref_slice %arg6[%arg0, %mul3A_12, %dma_wait3A] : memref<2x10240x128xf32, #tpu.memory_space<hbm>> -> memref<1x640x128xf32, #tpu.memory_space<hbm>>
      %dma_wait3A_18 = tpu.memref_squeeze %dma_wait3A_17 : memref<1x640x128xf32, #tpu.memory_space<hbm>> -> memref<640x128xf32, #tpu.memory_space<hbm>>
      %dma_wait3A_19 = arith.constant 0 : i32
      %dma_wait3A_20 = tpu.memref_slice %arg10[%mul3A_10, %dma_wait3A_19] : memref<10240x128xf32, #tpu.memory_space<vmem_shared>> -> memref<640x128xf32, #tpu.memory_space<vmem_shared>>
      tpu.wait_dma2 semaphore(%run_scoped3A : memref<!tpu.dma_semaphore, #tpu.memory_space<semaphore_mem>>) src(%dma_wait3A_20 : memref<640x128xf32, #tpu.memory_space<vmem_shared>>) dst(%dma_wait3A_18 : memref<640x128xf32, #tpu.memory_space<hbm>>)
      tpu.yield
    }) : () -> ()
    return
  }
}

#map = affine_map<(d0, d1) -> (0, 0)>
#map1 = affine_map<(d0, d1) -> (0, 0, 0)>
module attributes {stable_mosaic.version = 14 : i64} {
  func.func @spmm(%arg0: i32, %arg1: i32, %arg2: memref<10240x128xf32, #tpu.memory_space<hbm>>, %arg3: memref<32x79x128xi32, #tpu.memory_space<hbm>>, %arg4: memref<32x79x128xi32, #tpu.memory_space<hbm>>, %arg5: memref<640x128xf32, #tpu.memory_space<hbm>>, %arg6: memref<2x10240x128xf32, #tpu.memory_space<hbm>>, %arg7: memref<79x128xi32, #tpu.memory_space<vmem>>, %arg8: memref<79x128xi32, #tpu.memory_space<vmem>>, %arg9: memref<128x128xf32, #tpu.memory_space<vmem>>, %arg10: memref<10240x128xf32, #tpu.memory_space<vmem_shared>>, %arg11: memref<!tpu.dma_semaphore, #tpu.memory_space<semaphore_mem>>) attributes {dimension_semantics = [#tpu.dimension_semantics<core_parallel>, #tpu.dimension_semantics<subcore_parallel>], iteration_bounds = array<i64: 2, 16>, scalar_prefetch = 0 : i64, scratch_operands = 5 : i64, tpu.core_type = #tpu.core_type<sc_vector_subcore>, window_params = [{transform_indices = #map}, {transform_indices = #map1}, {transform_indices = #map1}, {transform_indices = #map}, {transform_indices = #map1}]} {
    %mul3A = arith.constant 2 : i32
    %mul3A_0 = arith.muli %arg1, %mul3A : i32
    %add3A = arith.addi %mul3A_0, %arg0 : i32
    "tpu.region"() ({
      %run_scoped3A = tpu.sem_alloc : memref<!tpu.dma_semaphore, #tpu.memory_space<semaphore_mem>>
      %dma_start3A = arith.constant 0 : i32
      %dma_start3A_13 = arith.constant 0 : i32
      %dma_start3A_14 = tpu.memref_slice %arg3[%add3A, %dma_start3A, %dma_start3A_13] : memref<32x79x128xi32, #tpu.memory_space<hbm>> -> memref<1x79x128xi32, #tpu.memory_space<hbm>>
      %dma_start3A_15 = tpu.memref_squeeze %dma_start3A_14 : memref<1x79x128xi32, #tpu.memory_space<hbm>> -> memref<79x128xi32, #tpu.memory_space<hbm>>
      %dma_start3A_16 = arith.constant 0 : i32
      %dma_start3A_17 = arith.constant 0 : i32
      %dma_start3A_18 = tpu.memref_slice %arg3[%add3A, %dma_start3A_16, %dma_start3A_17] : memref<32x79x128xi32, #tpu.memory_space<hbm>> -> memref<1x79x128xi32, #tpu.memory_space<hbm>>
      %dma_start3A_19 = tpu.memref_squeeze %dma_start3A_18 : memref<1x79x128xi32, #tpu.memory_space<hbm>> -> memref<79x128xi32, #tpu.memory_space<hbm>>
      tpu.enqueue_dma source(%dma_start3A_19 : memref<79x128xi32, #tpu.memory_space<hbm>>) target(%arg7 : memref<79x128xi32, #tpu.memory_space<vmem>>) target_semaphore(%run_scoped3A : memref<!tpu.dma_semaphore, #tpu.memory_space<semaphore_mem>>)
      %dma_wait3A = arith.constant 0 : i32
      %dma_wait3A_20 = arith.constant 0 : i32
      %dma_wait3A_21 = tpu.memref_slice %arg3[%add3A, %dma_wait3A, %dma_wait3A_20] : memref<32x79x128xi32, #tpu.memory_space<hbm>> -> memref<1x79x128xi32, #tpu.memory_space<hbm>>
      %dma_wait3A_22 = tpu.memref_squeeze %dma_wait3A_21 : memref<1x79x128xi32, #tpu.memory_space<hbm>> -> memref<79x128xi32, #tpu.memory_space<hbm>>
      %dma_wait3A_23 = arith.constant 0 : i32
      %dma_wait3A_24 = arith.constant 0 : i32
      %dma_wait3A_25 = tpu.memref_slice %arg3[%add3A, %dma_wait3A_23, %dma_wait3A_24] : memref<32x79x128xi32, #tpu.memory_space<hbm>> -> memref<1x79x128xi32, #tpu.memory_space<hbm>>
      %dma_wait3A_26 = tpu.memref_squeeze %dma_wait3A_25 : memref<1x79x128xi32, #tpu.memory_space<hbm>> -> memref<79x128xi32, #tpu.memory_space<hbm>>
      tpu.wait_dma2 semaphore(%run_scoped3A : memref<!tpu.dma_semaphore, #tpu.memory_space<semaphore_mem>>) src(%dma_wait3A_26 : memref<79x128xi32, #tpu.memory_space<hbm>>) dst(%arg7 : memref<79x128xi32, #tpu.memory_space<vmem>>)
      tpu.yield
    }) : () -> ()
    "tpu.region"() ({
      %run_scoped3A = tpu.sem_alloc : memref<!tpu.dma_semaphore, #tpu.memory_space<semaphore_mem>>
      %dma_start3A = arith.constant 0 : i32
      %dma_start3A_13 = arith.constant 0 : i32
      %dma_start3A_14 = tpu.memref_slice %arg4[%add3A, %dma_start3A, %dma_start3A_13] : memref<32x79x128xi32, #tpu.memory_space<hbm>> -> memref<1x79x128xi32, #tpu.memory_space<hbm>>
      %dma_start3A_15 = tpu.memref_squeeze %dma_start3A_14 : memref<1x79x128xi32, #tpu.memory_space<hbm>> -> memref<79x128xi32, #tpu.memory_space<hbm>>
      %dma_start3A_16 = arith.constant 0 : i32
      %dma_start3A_17 = arith.constant 0 : i32
      %dma_start3A_18 = tpu.memref_slice %arg4[%add3A, %dma_start3A_16, %dma_start3A_17] : memref<32x79x128xi32, #tpu.memory_space<hbm>> -> memref<1x79x128xi32, #tpu.memory_space<hbm>>
      %dma_start3A_19 = tpu.memref_squeeze %dma_start3A_18 : memref<1x79x128xi32, #tpu.memory_space<hbm>> -> memref<79x128xi32, #tpu.memory_space<hbm>>
      tpu.enqueue_dma source(%dma_start3A_19 : memref<79x128xi32, #tpu.memory_space<hbm>>) target(%arg8 : memref<79x128xi32, #tpu.memory_space<vmem>>) target_semaphore(%run_scoped3A : memref<!tpu.dma_semaphore, #tpu.memory_space<semaphore_mem>>)
      %dma_wait3A = arith.constant 0 : i32
      %dma_wait3A_20 = arith.constant 0 : i32
      %dma_wait3A_21 = tpu.memref_slice %arg4[%add3A, %dma_wait3A, %dma_wait3A_20] : memref<32x79x128xi32, #tpu.memory_space<hbm>> -> memref<1x79x128xi32, #tpu.memory_space<hbm>>
      %dma_wait3A_22 = tpu.memref_squeeze %dma_wait3A_21 : memref<1x79x128xi32, #tpu.memory_space<hbm>> -> memref<79x128xi32, #tpu.memory_space<hbm>>
      %dma_wait3A_23 = arith.constant 0 : i32
      %dma_wait3A_24 = arith.constant 0 : i32
      %dma_wait3A_25 = tpu.memref_slice %arg4[%add3A, %dma_wait3A_23, %dma_wait3A_24] : memref<32x79x128xi32, #tpu.memory_space<hbm>> -> memref<1x79x128xi32, #tpu.memory_space<hbm>>
      %dma_wait3A_26 = tpu.memref_squeeze %dma_wait3A_25 : memref<1x79x128xi32, #tpu.memory_space<hbm>> -> memref<79x128xi32, #tpu.memory_space<hbm>>
      tpu.wait_dma2 semaphore(%run_scoped3A : memref<!tpu.dma_semaphore, #tpu.memory_space<semaphore_mem>>) src(%dma_wait3A_26 : memref<79x128xi32, #tpu.memory_space<hbm>>) dst(%arg8 : memref<79x128xi32, #tpu.memory_space<vmem>>)
      tpu.yield
    }) : () -> ()
    %mul3A_1 = arith.constant 640 : i32
    %mul3A_2 = arith.muli %arg1, %mul3A_1 : i32
    "tpu.region"() ({
      %run_scoped3A = tpu.sem_alloc : memref<!tpu.dma_semaphore, #tpu.memory_space<semaphore_mem>>
      %dma_start3A = arith.constant 0 : i32
      %dma_start3A_13 = tpu.memref_slice %arg10[%mul3A_2, %dma_start3A] : memref<10240x128xf32, #tpu.memory_space<vmem_shared>> -> memref<640x128xf32, #tpu.memory_space<vmem_shared>>
      tpu.enqueue_dma source(%arg5 : memref<640x128xf32, #tpu.memory_space<hbm>>) target(%dma_start3A_13 : memref<640x128xf32, #tpu.memory_space<vmem_shared>>) target_semaphore(%run_scoped3A : memref<!tpu.dma_semaphore, #tpu.memory_space<semaphore_mem>>)
      %dma_wait3A = arith.constant 0 : i32
      %dma_wait3A_14 = tpu.memref_slice %arg10[%mul3A_2, %dma_wait3A] : memref<10240x128xf32, #tpu.memory_space<vmem_shared>> -> memref<640x128xf32, #tpu.memory_space<vmem_shared>>
      tpu.wait_dma2 semaphore(%run_scoped3A : memref<!tpu.dma_semaphore, #tpu.memory_space<semaphore_mem>>) src(%arg5 : memref<640x128xf32, #tpu.memory_space<hbm>>) dst(%dma_wait3A_14 : memref<640x128xf32, #tpu.memory_space<vmem_shared>>)
      tpu.yield
    }) : () -> ()
    %barrier3A = arith.constant 0 : index
    tpu.barrier barrier_id(%barrier3A)
    %scan3A = arith.constant 0 : i32
    %scan3A_3 = arith.constant 0 : i32
    %scan3A_4 = arith.constant 79 : i32
    %scan3A_5 = arith.addi %scan3A_3, %scan3A_4 : i32
    %scan3A_6 = arith.constant 1 : i32
    scf.for %scan3A_13 = %scan3A_3 to %scan3A_5 step %scan3A_6  : i32 {
      %dma_start3A = arith.constant 0 : i32
      %dma_start3A_14 = tpu.memref_slice %arg7[%scan3A_13, %dma_start3A] : memref<79x128xi32, #tpu.memory_space<vmem>> -> memref<1x128xi32, #tpu.memory_space<vmem>>
      %dma_start3A_15 = tpu.memref_squeeze %dma_start3A_14 : memref<1x128xi32, #tpu.memory_space<vmem>> -> memref<128xi32, #tpu.memory_space<vmem>>
      %dma_start3A_16 = arith.constant 0 : i32
      %dma_start3A_17 = arith.constant 0 : i32
      %dma_start3A_18 = tpu.memref_slice %arg2[%dma_start3A_16, %dma_start3A_17] : memref<10240x128xf32, #tpu.memory_space<hbm>> -> memref<10240x128xf32, #tpu.memory_space<hbm>>
      tpu.enqueue_indirect_dma source(%dma_start3A_18 : memref<10240x128xf32, #tpu.memory_space<hbm>>) target(%arg9 : memref<128x128xf32, #tpu.memory_space<vmem>>) offsets(%dma_start3A_15 : memref<128xi32, #tpu.memory_space<vmem>>) semaphore(%arg11 : memref<!tpu.dma_semaphore, #tpu.memory_space<semaphore_mem>>)
      %dma_wait3A = arith.constant 0 : i32
      %dma_wait3A_19 = tpu.memref_slice %arg7[%scan3A_13, %dma_wait3A] : memref<79x128xi32, #tpu.memory_space<vmem>> -> memref<1x128xi32, #tpu.memory_space<vmem>>
      %dma_wait3A_20 = tpu.memref_squeeze %dma_wait3A_19 : memref<1x128xi32, #tpu.memory_space<vmem>> -> memref<128xi32, #tpu.memory_space<vmem>>
      %dma_wait3A_21 = arith.constant 0 : i32
      %dma_wait3A_22 = arith.constant 0 : i32
      %dma_wait3A_23 = tpu.memref_slice %arg2[%dma_wait3A_21, %dma_wait3A_22] : memref<10240x128xf32, #tpu.memory_space<hbm>> -> memref<10240x128xf32, #tpu.memory_space<hbm>>
      tpu.wait_indirect_dma semaphore(%arg11 : memref<!tpu.dma_semaphore, #tpu.memory_space<semaphore_mem>>) src(%dma_wait3A_23 : memref<10240x128xf32, #tpu.memory_space<hbm>>) dst(%arg9 : memref<128x128xf32, #tpu.memory_space<vmem>>)
      "tpu.region"() ({
        %run_scoped3A = tpu.sem_alloc : memref<!tpu.dma_semaphore, #tpu.memory_space<semaphore_mem>>
        %dma_start3A_24 = arith.constant 0 : i32
        %dma_start3A_25 = tpu.memref_slice %arg8[%scan3A_13, %dma_start3A_24] : memref<79x128xi32, #tpu.memory_space<vmem>> -> memref<1x128xi32, #tpu.memory_space<vmem>>
        %dma_start3A_26 = tpu.memref_squeeze %dma_start3A_25 : memref<1x128xi32, #tpu.memory_space<vmem>> -> memref<128xi32, #tpu.memory_space<vmem>>
        %dma_start3A_27 = arith.constant 0 : i32
        %dma_start3A_28 = arith.constant 0 : i32
        %dma_start3A_29 = tpu.memref_slice %arg10[%dma_start3A_27, %dma_start3A_28] : memref<10240x128xf32, #tpu.memory_space<vmem_shared>> -> memref<10240x128xf32, #tpu.memory_space<vmem_shared>>
        tpu.enqueue_indirect_dma source(%arg9 : memref<128x128xf32, #tpu.memory_space<vmem>>) target(%dma_start3A_29 : memref<10240x128xf32, #tpu.memory_space<vmem_shared>>) offsets(%dma_start3A_26 : memref<128xi32, #tpu.memory_space<vmem>>) semaphore(%run_scoped3A : memref<!tpu.dma_semaphore, #tpu.memory_space<semaphore_mem>>) {add = true}
        %dma_wait3A_30 = arith.constant 0 : i32
        %dma_wait3A_31 = tpu.memref_slice %arg8[%scan3A_13, %dma_wait3A_30] : memref<79x128xi32, #tpu.memory_space<vmem>> -> memref<1x128xi32, #tpu.memory_space<vmem>>
        %dma_wait3A_32 = tpu.memref_squeeze %dma_wait3A_31 : memref<1x128xi32, #tpu.memory_space<vmem>> -> memref<128xi32, #tpu.memory_space<vmem>>
        %dma_wait3A_33 = arith.constant 0 : i32
        %dma_wait3A_34 = arith.constant 0 : i32
        %dma_wait3A_35 = tpu.memref_slice %arg10[%dma_wait3A_33, %dma_wait3A_34] : memref<10240x128xf32, #tpu.memory_space<vmem_shared>> -> memref<10240x128xf32, #tpu.memory_space<vmem_shared>>
        tpu.wait_indirect_dma semaphore(%run_scoped3A : memref<!tpu.dma_semaphore, #tpu.memory_space<semaphore_mem>>) src(%arg9 : memref<128x128xf32, #tpu.memory_space<vmem>>) dst(%dma_wait3A_35 : memref<10240x128xf32, #tpu.memory_space<vmem_shared>>)
        tpu.yield
      }) : () -> ()
    }
    %scan3A_7 = arith.constant 79 : i32
    %barrier3A_8 = arith.constant 0 : index
    tpu.barrier barrier_id(%barrier3A_8)
    %mul3A_9 = arith.constant 640 : i32
    %mul3A_10 = arith.muli %arg1, %mul3A_9 : i32
    %mul3A_11 = arith.constant 640 : i32
    %mul3A_12 = arith.muli %arg1, %mul3A_11 : i32
    "tpu.region"() ({
      %run_scoped3A = tpu.sem_alloc : memref<!tpu.dma_semaphore, #tpu.memory_space<semaphore_mem>>
      %dma_start3A = arith.constant 0 : i32
      %dma_start3A_13 = tpu.memref_slice %arg6[%arg0, %mul3A_12, %dma_start3A] : memref<2x10240x128xf32, #tpu.memory_space<hbm>> -> memref<1x640x128xf32, #tpu.memory_space<hbm>>
      %dma_start3A_14 = tpu.memref_squeeze %dma_start3A_13 : memref<1x640x128xf32, #tpu.memory_space<hbm>> -> memref<640x128xf32, #tpu.memory_space<hbm>>
      %dma_start3A_15 = arith.constant 0 : i32
      %dma_start3A_16 = tpu.memref_slice %arg10[%mul3A_10, %dma_start3A_15] : memref<10240x128xf32, #tpu.memory_space<vmem_shared>> -> memref<640x128xf32, #tpu.memory_space<vmem_shared>>
      tpu.enqueue_dma source(%dma_start3A_16 : memref<640x128xf32, #tpu.memory_space<vmem_shared>>) target(%dma_start3A_14 : memref<640x128xf32, #tpu.memory_space<hbm>>) target_semaphore(%run_scoped3A : memref<!tpu.dma_semaphore, #tpu.memory_space<semaphore_mem>>)
      %dma_wait3A = arith.constant 0 : i32
      %dma_wait3A_17 = tpu.memref_slice %arg6[%arg0, %mul3A_12, %dma_wait3A] : memref<2x10240x128xf32, #tpu.memory_space<hbm>> -> memref<1x640x128xf32, #tpu.memory_space<hbm>>
      %dma_wait3A_18 = tpu.memref_squeeze %dma_wait3A_17 : memref<1x640x128xf32, #tpu.memory_space<hbm>> -> memref<640x128xf32, #tpu.memory_space<hbm>>
      %dma_wait3A_19 = arith.constant 0 : i32
      %dma_wait3A_20 = tpu.memref_slice %arg10[%mul3A_10, %dma_wait3A_19] : memref<10240x128xf32, #tpu.memory_space<vmem_shared>> -> memref<640x128xf32, #tpu.memory_space<vmem_shared>>
      tpu.wait_dma2 semaphore(%run_scoped3A : memref<!tpu.dma_semaphore, #tpu.memory_space<semaphore_mem>>) src(%dma_wait3A_20 : memref<640x128xf32, #tpu.memory_space<vmem_shared>>) dst(%dma_wait3A_18 : memref<640x128xf32, #tpu.memory_space<hbm>>)
      tpu.yield
    }) : () -> ()
    return
  }
}

module attributes {stable_mosaic.version = 14 : i64} {
  func.func @body(%arg0: i32, %arg1: memref<256x128xf32, #tpu.memory_space<vmem>>, %arg2: memref<128x128xf32, #tpu.memory_space<vmem>>, %arg3: memref<1x128xf32, #tpu.memory_space<vmem>>, %arg4: memref<256x16xf32, #tpu.memory_space<vmem>>, %arg5: memref<256x16xf32, #tpu.memory_space<vmem>>, %arg6: memref<128x128xf32, #tpu.memory_space<vmem>>, %arg7: memref<1x128xf32, #tpu.memory_space<vmem>>, %arg8: memref<256x128xf32, #tpu.memory_space<vmem>>, %arg9: memref<256x128xf32, #tpu.memory_space<vmem>>) attributes {dimension_semantics = [#tpu.dimension_semantics<arbitrary>], iteration_bounds = array<i64: 40>, scalar_prefetch = 0 : i64, scratch_operands = 0 : i64, tpu.core_type = #tpu.core_type<tc>, window_params = [{transform_indices = @transform_0, window_bounds = array<i64: 256, 128>}, {pipeline_mode = #tpu.pipeline_mode<synchronous>, transform_indices = @transform_1, window_bounds = array<i64: 128, 128>}, {pipeline_mode = #tpu.pipeline_mode<synchronous>, transform_indices = @transform_2, window_bounds = array<i64: 1, 128>}, {transform_indices = @transform_3, window_bounds = array<i64: 256, 16>}, {transform_indices = @transform_4, window_bounds = array<i64: 256, 16>}, {pipeline_mode = #tpu.pipeline_mode<synchronous>, transform_indices = @transform_5, window_bounds = array<i64: 128, 128>}, {pipeline_mode = #tpu.pipeline_mode<synchronous>, transform_indices = @transform_6, window_bounds = array<i64: 1, 128>}, {transform_indices = @transform_7, window_bounds = array<i64: 256, 128>}, {transform_indices = @transform_8, window_bounds = array<i64: 256, 128>}]} {
    %get3A = arith.constant 0 : index
    %get3A_0 = arith.constant 0 : index
    %get3A_1 = vector.load %arg4[%get3A, %get3A_0] : memref<256x16xf32, #tpu.memory_space<vmem>>, vector<256x16xf32>
    %get3A_2 = arith.constant 0 : index
    %get3A_3 = arith.constant 0 : index
    %get3A_4 = vector.load %arg5[%get3A_2, %get3A_3] : memref<256x16xf32, #tpu.memory_space<vmem>>, vector<256x16xf32>
    %slice3A = vector.extract_strided_slice %get3A_1 {offsets = [0, 0], sizes = [256, 1], strides = [1, 1]} : vector<256x16xf32> to vector<256x1xf32>
    %slice3A_5 = vector.extract_strided_slice %get3A_4 {offsets = [0, 0], sizes = [256, 1], strides = [1, 1]} : vector<256x16xf32> to vector<256x1xf32>
    %add3A = arith.addf %slice3A, %slice3A_5 : vector<256x1xf32>
    %add3A_6 = arith.constant 1.000000e+00 : f32
    %add3A_7 = vector.broadcast %add3A_6 : f32 to vector<256x1xf32>
    %add3A_8 = arith.addf %add3A, %add3A_7 : vector<256x1xf32>
    %rsqrt3A = math.rsqrt %add3A_8 : vector<256x1xf32>
    %get3A_9 = arith.constant 0 : index
    %get3A_10 = arith.constant 0 : index
    %get3A_11 = vector.load %arg1[%get3A_9, %get3A_10] : memref<256x128xf32, #tpu.memory_space<vmem>>, vector<256x128xf32>
    %get3A_12 = arith.constant 0 : index
    %get3A_13 = arith.constant 0 : index
    %get3A_14 = vector.load %arg2[%get3A_12, %get3A_13] : memref<128x128xf32, #tpu.memory_space<vmem>>, vector<128x128xf32>
    %dot_general3A = arith.constant dense<0.000000e+00> : vector<256x128xf32>
    %dot_general3A_15 = tpu.matmul %get3A_11, %get3A_14, %dot_general3A {dimension_numbers = #tpu.dot_dimension_numbers<[1], [0], [0], [1], [0, 0, 1, 1], [], []>, transpose_lhs_hint = false} : vector<256x128xf32>, vector<128x128xf32>, vector<256x128xf32> -> vector<256x128xf32>
    %get3A_16 = arith.constant 0 : index
    %get3A_17 = arith.constant 0 : index
    %get3A_18 = vector.load %arg3[%get3A_16, %get3A_17] : memref<1x128xf32, #tpu.memory_space<vmem>>, vector<1x128xf32>
    %add3A_19 = vector.broadcast %get3A_18 : vector<1x128xf32> to vector<256x128xf32>
    %add3A_20 = arith.addf %dot_general3A_15, %add3A_19 : vector<256x128xf32>
    %ge3A = arith.constant 0.000000e+00 : f32
    %ge3A_21 = vector.broadcast %ge3A : f32 to vector<256x128xf32>
    %ge3A_22 = arith.cmpf oge, %add3A_20, %ge3A_21 : vector<256x128xf32>
    %mul3A = arith.constant 0.00999999977 : f32
    %mul3A_23 = vector.broadcast %mul3A : f32 to vector<256x128xf32>
    %mul3A_24 = arith.mulf %mul3A_23, %add3A_20 : vector<256x128xf32>
    %select_n3A = arith.select %ge3A_22, %add3A_20, %mul3A_24 : vector<256x128xi1>, vector<256x128xf32>
    %get3A_25 = arith.constant 0 : index
    %get3A_26 = arith.constant 0 : index
    %get3A_27 = vector.load %arg6[%get3A_25, %get3A_26] : memref<128x128xf32, #tpu.memory_space<vmem>>, vector<128x128xf32>
    %dot_general3A_28 = arith.constant dense<0.000000e+00> : vector<256x128xf32>
    %dot_general3A_29 = tpu.matmul %select_n3A, %get3A_27, %dot_general3A_28 {dimension_numbers = #tpu.dot_dimension_numbers<[1], [0], [0], [1], [0, 0, 1, 1], [], []>, transpose_lhs_hint = false} : vector<256x128xf32>, vector<128x128xf32>, vector<256x128xf32> -> vector<256x128xf32>
    %get3A_30 = arith.constant 0 : index
    %get3A_31 = arith.constant 0 : index
    %get3A_32 = vector.load %arg7[%get3A_30, %get3A_31] : memref<1x128xf32, #tpu.memory_space<vmem>>, vector<1x128xf32>
    %add3A_33 = vector.broadcast %get3A_32 : vector<1x128xf32> to vector<256x128xf32>
    %add3A_34 = arith.addf %dot_general3A_29, %add3A_33 : vector<256x128xf32>
    %mul3A_35 = vector.broadcast %rsqrt3A : vector<256x1xf32> to vector<256x128xf32>
    %mul3A_36 = arith.mulf %mul3A_35, %add3A_34 : vector<256x128xf32>
    %swap3A = arith.constant 0 : index
    %swap3A_37 = arith.constant 0 : index
    %swap3A_38 = vector.load %arg8[%swap3A, %swap3A_37] : memref<256x128xf32, #tpu.memory_space<vmem>>, vector<256x128xf32>
    tpu.vector_store %arg8[%swap3A, %swap3A_37], %select_n3A {strides = array<i32>} : memref<256x128xf32, #tpu.memory_space<vmem>>, vector<256x128xf32>,
    %swap3A_39 = arith.constant 0 : index
    %swap3A_40 = arith.constant 0 : index
    %swap3A_41 = vector.load %arg9[%swap3A_39, %swap3A_40] : memref<256x128xf32, #tpu.memory_space<vmem>>, vector<256x128xf32>
    tpu.vector_store %arg9[%swap3A_39, %swap3A_40], %mul3A_36 {strides = array<i32>} : memref<256x128xf32, #tpu.memory_space<vmem>>, vector<256x128xf32>,
    return
  }
  func.func @transform_0(%arg0: i32) -> (i32, i32) {
    %c0_i32 = arith.constant 0 : i32
    %c0_i32_0 = arith.constant 0 : i32
    return %arg0, %c0_i32 : i32, i32
  }
  func.func @transform_1(%arg0: i32) -> (i32, i32) {
    %c0_i32 = arith.constant 0 : i32
    %c0_i32_0 = arith.constant 0 : i32
    %c0_i32_1 = arith.constant 0 : i32
    return %c0_i32, %c0_i32_0 : i32, i32
  }
  func.func @transform_2(%arg0: i32) -> (i32, i32) {
    %c0_i32 = arith.constant 0 : i32
    %c0_i32_0 = arith.constant 0 : i32
    %c0_i32_1 = arith.constant 0 : i32
    return %c0_i32, %c0_i32_0 : i32, i32
  }
  func.func @transform_3(%arg0: i32) -> (i32, i32) {
    %c0_i32 = arith.constant 0 : i32
    %c0_i32_0 = arith.constant 0 : i32
    return %arg0, %c0_i32 : i32, i32
  }
  func.func @transform_4(%arg0: i32) -> (i32, i32) {
    %c0_i32 = arith.constant 0 : i32
    %c0_i32_0 = arith.constant 0 : i32
    return %arg0, %c0_i32 : i32, i32
  }
  func.func @transform_5(%arg0: i32) -> (i32, i32) {
    %c0_i32 = arith.constant 0 : i32
    %c0_i32_0 = arith.constant 0 : i32
    %c0_i32_1 = arith.constant 0 : i32
    return %c0_i32, %c0_i32_0 : i32, i32
  }
  func.func @transform_6(%arg0: i32) -> (i32, i32) {
    %c0_i32 = arith.constant 0 : i32
    %c0_i32_0 = arith.constant 0 : i32
    %c0_i32_1 = arith.constant 0 : i32
    return %c0_i32, %c0_i32_0 : i32, i32
  }
  func.func @transform_7(%arg0: i32) -> (i32, i32) {
    %c0_i32 = arith.constant 0 : i32
    %c0_i32_0 = arith.constant 0 : i32
    return %arg0, %c0_i32 : i32, i32
  }
  func.func @transform_8(%arg0: i32) -> (i32, i32) {
    %c0_i32 = arith.constant 0 : i32
    %c0_i32_0 = arith.constant 0 : i32
    return %arg0, %c0_i32 : i32, i32
  }
}

module attributes {stable_mosaic.version = 14 : i64} {
  func.func @body(%arg0: i32, %arg1: memref<256x128xf32, #tpu.memory_space<vmem>>, %arg2: memref<256x128xf32, #tpu.memory_space<vmem>>, %arg3: memref<256x128xf32, #tpu.memory_space<vmem>>, %arg4: memref<256x128xf32, #tpu.memory_space<vmem>>, %arg5: memref<256x16xf32, #tpu.memory_space<vmem>>, %arg6: memref<256x16xf32, #tpu.memory_space<vmem>>, %arg7: memref<128x384xf32, #tpu.memory_space<vmem>>, %arg8: memref<128x384xf32, #tpu.memory_space<vmem>>, %arg9: memref<1x384xf32, #tpu.memory_space<vmem>>, %arg10: memref<1x384xf32, #tpu.memory_space<vmem>>, %arg11: memref<128x128xf32, #tpu.memory_space<vmem>>, %arg12: memref<1x128xf32, #tpu.memory_space<vmem>>, %arg13: memref<256x128xf32, #tpu.memory_space<vmem>>, %arg14: memref<256x128xf32, #tpu.memory_space<vmem>>, %arg15: memref<256x128xf32, #tpu.memory_space<vmem>>) attributes {dimension_semantics = [#tpu.dimension_semantics<arbitrary>], iteration_bounds = array<i64: 40>, scalar_prefetch = 0 : i64, scratch_operands = 0 : i64, tpu.core_type = #tpu.core_type<tc>, window_params = [{transform_indices = @transform_0, window_bounds = array<i64: 256, 128>}, {transform_indices = @transform_1, window_bounds = array<i64: 256, 128>}, {transform_indices = @transform_2, window_bounds = array<i64: 256, 128>}, {transform_indices = @transform_3, window_bounds = array<i64: 256, 128>}, {transform_indices = @transform_4, window_bounds = array<i64: 256, 16>}, {transform_indices = @transform_5, window_bounds = array<i64: 256, 16>}, {pipeline_mode = #tpu.pipeline_mode<synchronous>, transform_indices = @transform_6, window_bounds = array<i64: 128, 384>}, {pipeline_mode = #tpu.pipeline_mode<synchronous>, transform_indices = @transform_7, window_bounds = array<i64: 128, 384>}, {pipeline_mode = #tpu.pipeline_mode<synchronous>, transform_indices = @transform_8, window_bounds = array<i64: 1, 384>}, {pipeline_mode = #tpu.pipeline_mode<synchronous>, transform_indices = @transform_9, window_bounds = array<i64: 1, 384>}, {pipeline_mode = #tpu.pipeline_mode<synchronous>, transform_indices = @transform_10, window_bounds = array<i64: 128, 128>}, {pipeline_mode = #tpu.pipeline_mode<synchronous>, transform_indices = @transform_11, window_bounds = array<i64: 1, 128>}, {transform_indices = @transform_12, window_bounds = array<i64: 256, 128>}, {transform_indices = @transform_13, window_bounds = array<i64: 256, 128>}, {transform_indices = @transform_14, window_bounds = array<i64: 256, 128>}]} {
    %get3A = arith.constant 0 : index
    %get3A_0 = arith.constant 0 : index
    %get3A_1 = vector.load %arg5[%get3A, %get3A_0] : memref<256x16xf32, #tpu.memory_space<vmem>>, vector<256x16xf32>
    %get3A_2 = arith.constant 0 : index
    %get3A_3 = arith.constant 0 : index
    %get3A_4 = vector.load %arg6[%get3A_2, %get3A_3] : memref<256x16xf32, #tpu.memory_space<vmem>>, vector<256x16xf32>
    %slice3A = vector.extract_strided_slice %get3A_1 {offsets = [0, 0], sizes = [256, 1], strides = [1, 1]} : vector<256x16xf32> to vector<256x1xf32>
    %slice3A_5 = vector.extract_strided_slice %get3A_4 {offsets = [0, 0], sizes = [256, 1], strides = [1, 1]} : vector<256x16xf32> to vector<256x1xf32>
    %add3A = arith.addf %slice3A, %slice3A_5 : vector<256x1xf32>
    %add3A_6 = arith.constant 1.000000e+00 : f32
    %add3A_7 = vector.broadcast %add3A_6 : f32 to vector<256x1xf32>
    %add3A_8 = arith.addf %add3A, %add3A_7 : vector<256x1xf32>
    %rsqrt3A = math.rsqrt %add3A_8 : vector<256x1xf32>
    %get3A_9 = arith.constant 0 : index
    %get3A_10 = arith.constant 0 : index
    %get3A_11 = vector.load %arg1[%get3A_9, %get3A_10] : memref<256x128xf32, #tpu.memory_space<vmem>>, vector<256x128xf32>
    %get3A_12 = arith.constant 0 : index
    %get3A_13 = arith.constant 0 : index
    %get3A_14 = vector.load %arg2[%get3A_12, %get3A_13] : memref<256x128xf32, #tpu.memory_space<vmem>>, vector<256x128xf32>
    %add3A_15 = arith.addf %get3A_11, %get3A_14 : vector<256x128xf32>
    %get3A_16 = arith.constant 0 : index
    %get3A_17 = arith.constant 0 : index
    %get3A_18 = vector.load %arg3[%get3A_16, %get3A_17] : memref<256x128xf32, #tpu.memory_space<vmem>>, vector<256x128xf32>
    %add3A_19 = arith.addf %add3A_15, %get3A_18 : vector<256x128xf32>
    %mul3A = vector.broadcast %rsqrt3A : vector<256x1xf32> to vector<256x128xf32>
    %mul3A_20 = arith.mulf %mul3A, %add3A_19 : vector<256x128xf32>
    %get3A_21 = arith.constant 0 : index
    %get3A_22 = arith.constant 0 : index
    %get3A_23 = vector.load %arg4[%get3A_21, %get3A_22] : memref<256x128xf32, #tpu.memory_space<vmem>>, vector<256x128xf32>
    %get3A_24 = arith.constant 0 : index
    %get3A_25 = arith.constant 0 : index
    %get3A_26 = vector.load %arg7[%get3A_24, %get3A_25] : memref<128x384xf32, #tpu.memory_space<vmem>>, vector<128x384xf32>
    %dot_general3A = arith.constant dense<0.000000e+00> : vector<256x384xf32>
    %dot_general3A_27 = tpu.matmul %mul3A_20, %get3A_26, %dot_general3A {dimension_numbers = #tpu.dot_dimension_numbers<[1], [0], [0], [1], [0, 0, 1, 1], [], []>, transpose_lhs_hint = false} : vector<256x128xf32>, vector<128x384xf32>, vector<256x384xf32> -> vector<256x384xf32>
    %get3A_28 = arith.constant 0 : index
    %get3A_29 = arith.constant 0 : index
    %get3A_30 = vector.load %arg9[%get3A_28, %get3A_29] : memref<1x384xf32, #tpu.memory_space<vmem>>, vector<1x384xf32>
    %add3A_31 = vector.broadcast %get3A_30 : vector<1x384xf32> to vector<256x384xf32>
    %add3A_32 = arith.addf %dot_general3A_27, %add3A_31 : vector<256x384xf32>
    %get3A_33 = arith.constant 0 : index
    %get3A_34 = arith.constant 0 : index
    %get3A_35 = vector.load %arg8[%get3A_33, %get3A_34] : memref<128x384xf32, #tpu.memory_space<vmem>>, vector<128x384xf32>
    %dot_general3A_36 = arith.constant dense<0.000000e+00> : vector<256x384xf32>
    %dot_general3A_37 = tpu.matmul %get3A_23, %get3A_35, %dot_general3A_36 {dimension_numbers = #tpu.dot_dimension_numbers<[1], [0], [0], [1], [0, 0, 1, 1], [], []>, transpose_lhs_hint = false} : vector<256x128xf32>, vector<128x384xf32>, vector<256x384xf32> -> vector<256x384xf32>
    %get3A_38 = arith.constant 0 : index
    %get3A_39 = arith.constant 0 : index
    %get3A_40 = vector.load %arg10[%get3A_38, %get3A_39] : memref<1x384xf32, #tpu.memory_space<vmem>>, vector<1x384xf32>
    %add3A_41 = vector.broadcast %get3A_40 : vector<1x384xf32> to vector<256x384xf32>
    %add3A_42 = arith.addf %dot_general3A_37, %add3A_41 : vector<256x384xf32>
    %slice3A_43 = vector.extract_strided_slice %add3A_32 {offsets = [0, 0], sizes = [256, 128], strides = [1, 1]} : vector<256x384xf32> to vector<256x128xf32>
    %slice3A_44 = vector.extract_strided_slice %add3A_42 {offsets = [0, 0], sizes = [256, 128], strides = [1, 1]} : vector<256x384xf32> to vector<256x128xf32>
    %add3A_45 = arith.addf %slice3A_43, %slice3A_44 : vector<256x128xf32>
    %logistic3A = arith.negf %add3A_45 : vector<256x128xf32>
    %logistic3A_46 = math.exp %logistic3A : vector<256x128xf32>
    %logistic3A_47 = arith.constant 1.000000e+00 : f32
    %logistic3A_48 = vector.broadcast %logistic3A_47 : f32 to vector<256x128xf32>
    %logistic3A_49 = arith.addf %logistic3A_48, %logistic3A_46 : vector<256x128xf32>
    %logistic3A_50 = arith.divf %logistic3A_48, %logistic3A_49 : vector<256x128xf32>
    %slice3A_51 = vector.extract_strided_slice %add3A_32 {offsets = [0, 128], sizes = [256, 128], strides = [1, 1]} : vector<256x384xf32> to vector<256x128xf32>
    %slice3A_52 = vector.extract_strided_slice %add3A_42 {offsets = [0, 128], sizes = [256, 128], strides = [1, 1]} : vector<256x384xf32> to vector<256x128xf32>
    %add3A_53 = arith.addf %slice3A_51, %slice3A_52 : vector<256x128xf32>
    %logistic3A_54 = arith.negf %add3A_53 : vector<256x128xf32>
    %logistic3A_55 = math.exp %logistic3A_54 : vector<256x128xf32>
    %logistic3A_56 = arith.constant 1.000000e+00 : f32
    %logistic3A_57 = vector.broadcast %logistic3A_56 : f32 to vector<256x128xf32>
    %logistic3A_58 = arith.addf %logistic3A_57, %logistic3A_55 : vector<256x128xf32>
    %logistic3A_59 = arith.divf %logistic3A_57, %logistic3A_58 : vector<256x128xf32>
    %slice3A_60 = vector.extract_strided_slice %add3A_32 {offsets = [0, 256], sizes = [256, 128], strides = [1, 1]} : vector<256x384xf32> to vector<256x128xf32>
    %slice3A_61 = vector.extract_strided_slice %add3A_42 {offsets = [0, 256], sizes = [256, 128], strides = [1, 1]} : vector<256x384xf32> to vector<256x128xf32>
    %mul3A_62 = arith.mulf %logistic3A_50, %slice3A_61 : vector<256x128xf32>
    %add3A_63 = arith.addf %slice3A_60, %mul3A_62 : vector<256x128xf32>
    %tanh3A = math.tanh %add3A_63 : vector<256x128xf32>
    %sub3A = arith.constant 1.000000e+00 : f32
    %sub3A_64 = vector.broadcast %sub3A : f32 to vector<256x128xf32>
    %sub3A_65 = arith.subf %sub3A_64, %logistic3A_59 : vector<256x128xf32>
    %mul3A_66 = arith.mulf %sub3A_65, %tanh3A : vector<256x128xf32>
    %mul3A_67 = arith.mulf %logistic3A_59, %get3A_23 : vector<256x128xf32>
    %add3A_68 = arith.addf %mul3A_66, %mul3A_67 : vector<256x128xf32>
    %swap3A = arith.constant 0 : index
    %swap3A_69 = arith.constant 0 : index
    %swap3A_70 = vector.load %arg13[%swap3A, %swap3A_69] : memref<256x128xf32, #tpu.memory_space<vmem>>, vector<256x128xf32>
    tpu.vector_store %arg13[%swap3A, %swap3A_69], %add3A_68 {strides = array<i32>} : memref<256x128xf32, #tpu.memory_space<vmem>>, vector<256x128xf32>,
    %swap3A_71 = arith.constant 0 : index
    %swap3A_72 = arith.constant 0 : index
    %swap3A_73 = vector.load %arg14[%swap3A_71, %swap3A_72] : memref<256x128xf32, #tpu.memory_space<vmem>>, vector<256x128xf32>
    tpu.vector_store %arg14[%swap3A_71, %swap3A_72], %add3A_68 {strides = array<i32>} : memref<256x128xf32, #tpu.memory_space<vmem>>, vector<256x128xf32>,
    %get3A_74 = arith.constant 0 : index
    %get3A_75 = arith.constant 0 : index
    %get3A_76 = vector.load %arg11[%get3A_74, %get3A_75] : memref<128x128xf32, #tpu.memory_space<vmem>>, vector<128x128xf32>
    %dot_general3A_77 = arith.constant dense<0.000000e+00> : vector<256x128xf32>
    %dot_general3A_78 = tpu.matmul %add3A_68, %get3A_76, %dot_general3A_77 {dimension_numbers = #tpu.dot_dimension_numbers<[1], [0], [0], [1], [0, 0, 1, 1], [], []>, transpose_lhs_hint = false} : vector<256x128xf32>, vector<128x128xf32>, vector<256x128xf32> -> vector<256x128xf32>
    %get3A_79 = arith.constant 0 : index
    %get3A_80 = arith.constant 0 : index
    %get3A_81 = vector.load %arg12[%get3A_79, %get3A_80] : memref<1x128xf32, #tpu.memory_space<vmem>>, vector<1x128xf32>
    %add3A_82 = vector.broadcast %get3A_81 : vector<1x128xf32> to vector<256x128xf32>
    %add3A_83 = arith.addf %dot_general3A_78, %add3A_82 : vector<256x128xf32>
    %mul3A_84 = vector.broadcast %rsqrt3A : vector<256x1xf32> to vector<256x128xf32>
    %mul3A_85 = arith.mulf %mul3A_84, %add3A_83 : vector<256x128xf32>
    %swap3A_86 = arith.constant 0 : index
    %swap3A_87 = arith.constant 0 : index
    %swap3A_88 = vector.load %arg15[%swap3A_86, %swap3A_87] : memref<256x128xf32, #tpu.memory_space<vmem>>, vector<256x128xf32>
    tpu.vector_store %arg15[%swap3A_86, %swap3A_87], %mul3A_85 {strides = array<i32>} : memref<256x128xf32, #tpu.memory_space<vmem>>, vector<256x128xf32>,
    return
  }
  func.func @transform_0(%arg0: i32) -> (i32, i32) {
    %c0_i32 = arith.constant 0 : i32
    %c0_i32_0 = arith.constant 0 : i32
    return %arg0, %c0_i32 : i32, i32
  }
  func.func @transform_1(%arg0: i32) -> (i32, i32) {
    %c0_i32 = arith.constant 0 : i32
    %c0_i32_0 = arith.constant 0 : i32
    return %arg0, %c0_i32 : i32, i32
  }
  func.func @transform_2(%arg0: i32) -> (i32, i32) {
    %c0_i32 = arith.constant 0 : i32
    %c0_i32_0 = arith.constant 0 : i32
    return %arg0, %c0_i32 : i32, i32
  }
  func.func @transform_3(%arg0: i32) -> (i32, i32) {
    %c0_i32 = arith.constant 0 : i32
    %c0_i32_0 = arith.constant 0 : i32
    return %arg0, %c0_i32 : i32, i32
  }
  func.func @transform_4(%arg0: i32) -> (i32, i32) {
    %c0_i32 = arith.constant 0 : i32
    %c0_i32_0 = arith.constant 0 : i32
    return %arg0, %c0_i32 : i32, i32
  }
  func.func @transform_5(%arg0: i32) -> (i32, i32) {
    %c0_i32 = arith.constant 0 : i32
    %c0_i32_0 = arith.constant 0 : i32
    return %arg0, %c0_i32 : i32, i32
  }
  func.func @transform_6(%arg0: i32) -> (i32, i32) {
    %c0_i32 = arith.constant 0 : i32
    %c0_i32_0 = arith.constant 0 : i32
    %c0_i32_1 = arith.constant 0 : i32
    return %c0_i32, %c0_i32_0 : i32, i32
  }
  func.func @transform_7(%arg0: i32) -> (i32, i32) {
    %c0_i32 = arith.constant 0 : i32
    %c0_i32_0 = arith.constant 0 : i32
    %c0_i32_1 = arith.constant 0 : i32
    return %c0_i32, %c0_i32_0 : i32, i32
  }
  func.func @transform_8(%arg0: i32) -> (i32, i32) {
    %c0_i32 = arith.constant 0 : i32
    %c0_i32_0 = arith.constant 0 : i32
    %c0_i32_1 = arith.constant 0 : i32
    return %c0_i32, %c0_i32_0 : i32, i32
  }
  func.func @transform_9(%arg0: i32) -> (i32, i32) {
    %c0_i32 = arith.constant 0 : i32
    %c0_i32_0 = arith.constant 0 : i32
    %c0_i32_1 = arith.constant 0 : i32
    return %c0_i32, %c0_i32_0 : i32, i32
  }
  func.func @transform_10(%arg0: i32) -> (i32, i32) {
    %c0_i32 = arith.constant 0 : i32
    %c0_i32_0 = arith.constant 0 : i32
    %c0_i32_1 = arith.constant 0 : i32
    return %c0_i32, %c0_i32_0 : i32, i32
  }
  func.func @transform_11(%arg0: i32) -> (i32, i32) {
    %c0_i32 = arith.constant 0 : i32
    %c0_i32_0 = arith.constant 0 : i32
    %c0_i32_1 = arith.constant 0 : i32
    return %c0_i32, %c0_i32_0 : i32, i32
  }
  func.func @transform_12(%arg0: i32) -> (i32, i32) {
    %c0_i32 = arith.constant 0 : i32
    %c0_i32_0 = arith.constant 0 : i32
    return %arg0, %c0_i32 : i32, i32
  }
  func.func @transform_13(%arg0: i32) -> (i32, i32) {
    %c0_i32 = arith.constant 0 : i32
    %c0_i32_0 = arith.constant 0 : i32
    return %arg0, %c0_i32 : i32, i32
  }
  func.func @transform_14(%arg0: i32) -> (i32, i32) {
    %c0_i32 = arith.constant 0 : i32
    %c0_i32_0 = arith.constant 0 : i32
    return %arg0, %c0_i32 : i32, i32
  }
}

module attributes {stable_mosaic.version = 14 : i64} {
  func.func @body(%arg0: i32, %arg1: memref<256x128xf32, #tpu.memory_space<vmem>>, %arg2: memref<256x128xf32, #tpu.memory_space<vmem>>, %arg3: memref<256x128xf32, #tpu.memory_space<vmem>>, %arg4: memref<256x128xf32, #tpu.memory_space<vmem>>, %arg5: memref<256x128xf32, #tpu.memory_space<vmem>>, %arg6: memref<256x16xf32, #tpu.memory_space<vmem>>, %arg7: memref<256x16xf32, #tpu.memory_space<vmem>>, %arg8: memref<128x384xf32, #tpu.memory_space<vmem>>, %arg9: memref<128x384xf32, #tpu.memory_space<vmem>>, %arg10: memref<1x384xf32, #tpu.memory_space<vmem>>, %arg11: memref<1x384xf32, #tpu.memory_space<vmem>>, %arg12: memref<128x128xf32, #tpu.memory_space<vmem>>, %arg13: memref<1x128xf32, #tpu.memory_space<vmem>>, %arg14: memref<256x128xf32, #tpu.memory_space<vmem>>, %arg15: memref<256x128xf32, #tpu.memory_space<vmem>>, %arg16: memref<256x128xf32, #tpu.memory_space<vmem>>) attributes {dimension_semantics = [#tpu.dimension_semantics<arbitrary>], iteration_bounds = array<i64: 40>, scalar_prefetch = 0 : i64, scratch_operands = 0 : i64, tpu.core_type = #tpu.core_type<tc>, window_params = [{transform_indices = @transform_0, window_bounds = array<i64: 256, 128>}, {transform_indices = @transform_1, window_bounds = array<i64: 256, 128>}, {transform_indices = @transform_2, window_bounds = array<i64: 256, 128>}, {transform_indices = @transform_3, window_bounds = array<i64: 256, 128>}, {transform_indices = @transform_4, window_bounds = array<i64: 256, 128>}, {transform_indices = @transform_5, window_bounds = array<i64: 256, 16>}, {transform_indices = @transform_6, window_bounds = array<i64: 256, 16>}, {pipeline_mode = #tpu.pipeline_mode<synchronous>, transform_indices = @transform_7, window_bounds = array<i64: 128, 384>}, {pipeline_mode = #tpu.pipeline_mode<synchronous>, transform_indices = @transform_8, window_bounds = array<i64: 128, 384>}, {pipeline_mode = #tpu.pipeline_mode<synchronous>, transform_indices = @transform_9, window_bounds = array<i64: 1, 384>}, {pipeline_mode = #tpu.pipeline_mode<synchronous>, transform_indices = @transform_10, window_bounds = array<i64: 1, 384>}, {pipeline_mode = #tpu.pipeline_mode<synchronous>, transform_indices = @transform_11, window_bounds = array<i64: 128, 128>}, {pipeline_mode = #tpu.pipeline_mode<synchronous>, transform_indices = @transform_12, window_bounds = array<i64: 1, 128>}, {transform_indices = @transform_13, window_bounds = array<i64: 256, 128>}, {transform_indices = @transform_14, window_bounds = array<i64: 256, 128>}, {transform_indices = @transform_15, window_bounds = array<i64: 256, 128>}]} {
    %get3A = arith.constant 0 : index
    %get3A_0 = arith.constant 0 : index
    %get3A_1 = vector.load %arg6[%get3A, %get3A_0] : memref<256x16xf32, #tpu.memory_space<vmem>>, vector<256x16xf32>
    %get3A_2 = arith.constant 0 : index
    %get3A_3 = arith.constant 0 : index
    %get3A_4 = vector.load %arg7[%get3A_2, %get3A_3] : memref<256x16xf32, #tpu.memory_space<vmem>>, vector<256x16xf32>
    %slice3A = vector.extract_strided_slice %get3A_1 {offsets = [0, 0], sizes = [256, 1], strides = [1, 1]} : vector<256x16xf32> to vector<256x1xf32>
    %slice3A_5 = vector.extract_strided_slice %get3A_4 {offsets = [0, 0], sizes = [256, 1], strides = [1, 1]} : vector<256x16xf32> to vector<256x1xf32>
    %add3A = arith.addf %slice3A, %slice3A_5 : vector<256x1xf32>
    %add3A_6 = arith.constant 1.000000e+00 : f32
    %add3A_7 = vector.broadcast %add3A_6 : f32 to vector<256x1xf32>
    %add3A_8 = arith.addf %add3A, %add3A_7 : vector<256x1xf32>
    %rsqrt3A = math.rsqrt %add3A_8 : vector<256x1xf32>
    %get3A_9 = arith.constant 0 : index
    %get3A_10 = arith.constant 0 : index
    %get3A_11 = vector.load %arg1[%get3A_9, %get3A_10] : memref<256x128xf32, #tpu.memory_space<vmem>>, vector<256x128xf32>
    %get3A_12 = arith.constant 0 : index
    %get3A_13 = arith.constant 0 : index
    %get3A_14 = vector.load %arg2[%get3A_12, %get3A_13] : memref<256x128xf32, #tpu.memory_space<vmem>>, vector<256x128xf32>
    %add3A_15 = arith.addf %get3A_11, %get3A_14 : vector<256x128xf32>
    %get3A_16 = arith.constant 0 : index
    %get3A_17 = arith.constant 0 : index
    %get3A_18 = vector.load %arg3[%get3A_16, %get3A_17] : memref<256x128xf32, #tpu.memory_space<vmem>>, vector<256x128xf32>
    %add3A_19 = arith.addf %add3A_15, %get3A_18 : vector<256x128xf32>
    %mul3A = vector.broadcast %rsqrt3A : vector<256x1xf32> to vector<256x128xf32>
    %mul3A_20 = arith.mulf %mul3A, %add3A_19 : vector<256x128xf32>
    %get3A_21 = arith.constant 0 : index
    %get3A_22 = arith.constant 0 : index
    %get3A_23 = vector.load %arg4[%get3A_21, %get3A_22] : memref<256x128xf32, #tpu.memory_space<vmem>>, vector<256x128xf32>
    %get3A_24 = arith.constant 0 : index
    %get3A_25 = arith.constant 0 : index
    %get3A_26 = vector.load %arg8[%get3A_24, %get3A_25] : memref<128x384xf32, #tpu.memory_space<vmem>>, vector<128x384xf32>
    %dot_general3A = arith.constant dense<0.000000e+00> : vector<256x384xf32>
    %dot_general3A_27 = tpu.matmul %mul3A_20, %get3A_26, %dot_general3A {dimension_numbers = #tpu.dot_dimension_numbers<[1], [0], [0], [1], [0, 0, 1, 1], [], []>, transpose_lhs_hint = false} : vector<256x128xf32>, vector<128x384xf32>, vector<256x384xf32> -> vector<256x384xf32>
    %get3A_28 = arith.constant 0 : index
    %get3A_29 = arith.constant 0 : index
    %get3A_30 = vector.load %arg10[%get3A_28, %get3A_29] : memref<1x384xf32, #tpu.memory_space<vmem>>, vector<1x384xf32>
    %add3A_31 = vector.broadcast %get3A_30 : vector<1x384xf32> to vector<256x384xf32>
    %add3A_32 = arith.addf %dot_general3A_27, %add3A_31 : vector<256x384xf32>
    %get3A_33 = arith.constant 0 : index
    %get3A_34 = arith.constant 0 : index
    %get3A_35 = vector.load %arg9[%get3A_33, %get3A_34] : memref<128x384xf32, #tpu.memory_space<vmem>>, vector<128x384xf32>
    %dot_general3A_36 = arith.constant dense<0.000000e+00> : vector<256x384xf32>
    %dot_general3A_37 = tpu.matmul %get3A_23, %get3A_35, %dot_general3A_36 {dimension_numbers = #tpu.dot_dimension_numbers<[1], [0], [0], [1], [0, 0, 1, 1], [], []>, transpose_lhs_hint = false} : vector<256x128xf32>, vector<128x384xf32>, vector<256x384xf32> -> vector<256x384xf32>
    %get3A_38 = arith.constant 0 : index
    %get3A_39 = arith.constant 0 : index
    %get3A_40 = vector.load %arg11[%get3A_38, %get3A_39] : memref<1x384xf32, #tpu.memory_space<vmem>>, vector<1x384xf32>
    %add3A_41 = vector.broadcast %get3A_40 : vector<1x384xf32> to vector<256x384xf32>
    %add3A_42 = arith.addf %dot_general3A_37, %add3A_41 : vector<256x384xf32>
    %slice3A_43 = vector.extract_strided_slice %add3A_32 {offsets = [0, 0], sizes = [256, 128], strides = [1, 1]} : vector<256x384xf32> to vector<256x128xf32>
    %slice3A_44 = vector.extract_strided_slice %add3A_42 {offsets = [0, 0], sizes = [256, 128], strides = [1, 1]} : vector<256x384xf32> to vector<256x128xf32>
    %add3A_45 = arith.addf %slice3A_43, %slice3A_44 : vector<256x128xf32>
    %logistic3A = arith.negf %add3A_45 : vector<256x128xf32>
    %logistic3A_46 = math.exp %logistic3A : vector<256x128xf32>
    %logistic3A_47 = arith.constant 1.000000e+00 : f32
    %logistic3A_48 = vector.broadcast %logistic3A_47 : f32 to vector<256x128xf32>
    %logistic3A_49 = arith.addf %logistic3A_48, %logistic3A_46 : vector<256x128xf32>
    %logistic3A_50 = arith.divf %logistic3A_48, %logistic3A_49 : vector<256x128xf32>
    %slice3A_51 = vector.extract_strided_slice %add3A_32 {offsets = [0, 128], sizes = [256, 128], strides = [1, 1]} : vector<256x384xf32> to vector<256x128xf32>
    %slice3A_52 = vector.extract_strided_slice %add3A_42 {offsets = [0, 128], sizes = [256, 128], strides = [1, 1]} : vector<256x384xf32> to vector<256x128xf32>
    %add3A_53 = arith.addf %slice3A_51, %slice3A_52 : vector<256x128xf32>
    %logistic3A_54 = arith.negf %add3A_53 : vector<256x128xf32>
    %logistic3A_55 = math.exp %logistic3A_54 : vector<256x128xf32>
    %logistic3A_56 = arith.constant 1.000000e+00 : f32
    %logistic3A_57 = vector.broadcast %logistic3A_56 : f32 to vector<256x128xf32>
    %logistic3A_58 = arith.addf %logistic3A_57, %logistic3A_55 : vector<256x128xf32>
    %logistic3A_59 = arith.divf %logistic3A_57, %logistic3A_58 : vector<256x128xf32>
    %slice3A_60 = vector.extract_strided_slice %add3A_32 {offsets = [0, 256], sizes = [256, 128], strides = [1, 1]} : vector<256x384xf32> to vector<256x128xf32>
    %slice3A_61 = vector.extract_strided_slice %add3A_42 {offsets = [0, 256], sizes = [256, 128], strides = [1, 1]} : vector<256x384xf32> to vector<256x128xf32>
    %mul3A_62 = arith.mulf %logistic3A_50, %slice3A_61 : vector<256x128xf32>
    %add3A_63 = arith.addf %slice3A_60, %mul3A_62 : vector<256x128xf32>
    %tanh3A = math.tanh %add3A_63 : vector<256x128xf32>
    %sub3A = arith.constant 1.000000e+00 : f32
    %sub3A_64 = vector.broadcast %sub3A : f32 to vector<256x128xf32>
    %sub3A_65 = arith.subf %sub3A_64, %logistic3A_59 : vector<256x128xf32>
    %mul3A_66 = arith.mulf %sub3A_65, %tanh3A : vector<256x128xf32>
    %mul3A_67 = arith.mulf %logistic3A_59, %get3A_23 : vector<256x128xf32>
    %add3A_68 = arith.addf %mul3A_66, %mul3A_67 : vector<256x128xf32>
    %swap3A = arith.constant 0 : index
    %swap3A_69 = arith.constant 0 : index
    %swap3A_70 = vector.load %arg14[%swap3A, %swap3A_69] : memref<256x128xf32, #tpu.memory_space<vmem>>, vector<256x128xf32>
    tpu.vector_store %arg14[%swap3A, %swap3A_69], %add3A_68 {strides = array<i32>} : memref<256x128xf32, #tpu.memory_space<vmem>>, vector<256x128xf32>,
    %get3A_71 = arith.constant 0 : index
    %get3A_72 = arith.constant 0 : index
    %get3A_73 = vector.load %arg5[%get3A_71, %get3A_72] : memref<256x128xf32, #tpu.memory_space<vmem>>, vector<256x128xf32>
    %max3A = arith.maximumf %get3A_73, %add3A_68 : vector<256x128xf32>
    %swap3A_74 = arith.constant 0 : index
    %swap3A_75 = arith.constant 0 : index
    %swap3A_76 = vector.load %arg15[%swap3A_74, %swap3A_75] : memref<256x128xf32, #tpu.memory_space<vmem>>, vector<256x128xf32>
    tpu.vector_store %arg15[%swap3A_74, %swap3A_75], %max3A {strides = array<i32>} : memref<256x128xf32, #tpu.memory_space<vmem>>, vector<256x128xf32>,
    %get3A_77 = arith.constant 0 : index
    %get3A_78 = arith.constant 0 : index
    %get3A_79 = vector.load %arg12[%get3A_77, %get3A_78] : memref<128x128xf32, #tpu.memory_space<vmem>>, vector<128x128xf32>
    %dot_general3A_80 = arith.constant dense<0.000000e+00> : vector<256x128xf32>
    %dot_general3A_81 = tpu.matmul %add3A_68, %get3A_79, %dot_general3A_80 {dimension_numbers = #tpu.dot_dimension_numbers<[1], [0], [0], [1], [0, 0, 1, 1], [], []>, transpose_lhs_hint = false} : vector<256x128xf32>, vector<128x128xf32>, vector<256x128xf32> -> vector<256x128xf32>
    %get3A_82 = arith.constant 0 : index
    %get3A_83 = arith.constant 0 : index
    %get3A_84 = vector.load %arg13[%get3A_82, %get3A_83] : memref<1x128xf32, #tpu.memory_space<vmem>>, vector<1x128xf32>
    %add3A_85 = vector.broadcast %get3A_84 : vector<1x128xf32> to vector<256x128xf32>
    %add3A_86 = arith.addf %dot_general3A_81, %add3A_85 : vector<256x128xf32>
    %mul3A_87 = vector.broadcast %rsqrt3A : vector<256x1xf32> to vector<256x128xf32>
    %mul3A_88 = arith.mulf %mul3A_87, %add3A_86 : vector<256x128xf32>
    %swap3A_89 = arith.constant 0 : index
    %swap3A_90 = arith.constant 0 : index
    %swap3A_91 = vector.load %arg16[%swap3A_89, %swap3A_90] : memref<256x128xf32, #tpu.memory_space<vmem>>, vector<256x128xf32>
    tpu.vector_store %arg16[%swap3A_89, %swap3A_90], %mul3A_88 {strides = array<i32>} : memref<256x128xf32, #tpu.memory_space<vmem>>, vector<256x128xf32>,
    return
  }
  func.func @transform_0(%arg0: i32) -> (i32, i32) {
    %c0_i32 = arith.constant 0 : i32
    %c0_i32_0 = arith.constant 0 : i32
    return %arg0, %c0_i32 : i32, i32
  }
  func.func @transform_1(%arg0: i32) -> (i32, i32) {
    %c0_i32 = arith.constant 0 : i32
    %c0_i32_0 = arith.constant 0 : i32
    return %arg0, %c0_i32 : i32, i32
  }
  func.func @transform_2(%arg0: i32) -> (i32, i32) {
    %c0_i32 = arith.constant 0 : i32
    %c0_i32_0 = arith.constant 0 : i32
    return %arg0, %c0_i32 : i32, i32
  }
  func.func @transform_3(%arg0: i32) -> (i32, i32) {
    %c0_i32 = arith.constant 0 : i32
    %c0_i32_0 = arith.constant 0 : i32
    return %arg0, %c0_i32 : i32, i32
  }
  func.func @transform_4(%arg0: i32) -> (i32, i32) {
    %c0_i32 = arith.constant 0 : i32
    %c0_i32_0 = arith.constant 0 : i32
    return %arg0, %c0_i32 : i32, i32
  }
  func.func @transform_5(%arg0: i32) -> (i32, i32) {
    %c0_i32 = arith.constant 0 : i32
    %c0_i32_0 = arith.constant 0 : i32
    return %arg0, %c0_i32 : i32, i32
  }
  func.func @transform_6(%arg0: i32) -> (i32, i32) {
    %c0_i32 = arith.constant 0 : i32
    %c0_i32_0 = arith.constant 0 : i32
    return %arg0, %c0_i32 : i32, i32
  }
  func.func @transform_7(%arg0: i32) -> (i32, i32) {
    %c0_i32 = arith.constant 0 : i32
    %c0_i32_0 = arith.constant 0 : i32
    %c0_i32_1 = arith.constant 0 : i32
    return %c0_i32, %c0_i32_0 : i32, i32
  }
  func.func @transform_8(%arg0: i32) -> (i32, i32) {
    %c0_i32 = arith.constant 0 : i32
    %c0_i32_0 = arith.constant 0 : i32
    %c0_i32_1 = arith.constant 0 : i32
    return %c0_i32, %c0_i32_0 : i32, i32
  }
  func.func @transform_9(%arg0: i32) -> (i32, i32) {
    %c0_i32 = arith.constant 0 : i32
    %c0_i32_0 = arith.constant 0 : i32
    %c0_i32_1 = arith.constant 0 : i32
    return %c0_i32, %c0_i32_0 : i32, i32
  }
  func.func @transform_10(%arg0: i32) -> (i32, i32) {
    %c0_i32 = arith.constant 0 : i32
    %c0_i32_0 = arith.constant 0 : i32
    %c0_i32_1 = arith.constant 0 : i32
    return %c0_i32, %c0_i32_0 : i32, i32
  }
  func.func @transform_11(%arg0: i32) -> (i32, i32) {
    %c0_i32 = arith.constant 0 : i32
    %c0_i32_0 = arith.constant 0 : i32
    %c0_i32_1 = arith.constant 0 : i32
    return %c0_i32, %c0_i32_0 : i32, i32
  }
  func.func @transform_12(%arg0: i32) -> (i32, i32) {
    %c0_i32 = arith.constant 0 : i32
    %c0_i32_0 = arith.constant 0 : i32
    %c0_i32_1 = arith.constant 0 : i32
    return %c0_i32, %c0_i32_0 : i32, i32
  }
  func.func @transform_13(%arg0: i32) -> (i32, i32) {
    %c0_i32 = arith.constant 0 : i32
    %c0_i32_0 = arith.constant 0 : i32
    return %arg0, %c0_i32 : i32, i32
  }
  func.func @transform_14(%arg0: i32) -> (i32, i32) {
    %c0_i32 = arith.constant 0 : i32
    %c0_i32_0 = arith.constant 0 : i32
    return %arg0, %c0_i32 : i32, i32
  }
  func.func @transform_15(%arg0: i32) -> (i32, i32) {
    %c0_i32 = arith.constant 0 : i32
    %c0_i32_0 = arith.constant 0 : i32
    return %arg0, %c0_i32 : i32, i32
  }
}

module attributes {stable_mosaic.version = 14 : i64} {
  func.func @body(%arg0: i32, %arg1: memref<256x128xf32, #tpu.memory_space<vmem>>, %arg2: memref<256x128xf32, #tpu.memory_space<vmem>>, %arg3: memref<256x128xf32, #tpu.memory_space<vmem>>, %arg4: memref<256x128xf32, #tpu.memory_space<vmem>>, %arg5: memref<256x128xf32, #tpu.memory_space<vmem>>, %arg6: memref<256x16xf32, #tpu.memory_space<vmem>>, %arg7: memref<256x16xf32, #tpu.memory_space<vmem>>, %arg8: memref<128x384xf32, #tpu.memory_space<vmem>>, %arg9: memref<128x384xf32, #tpu.memory_space<vmem>>, %arg10: memref<1x384xf32, #tpu.memory_space<vmem>>, %arg11: memref<1x384xf32, #tpu.memory_space<vmem>>, %arg12: memref<256x128xf32, #tpu.memory_space<vmem>>, %arg13: memref<256x128xf32, #tpu.memory_space<vmem>>) attributes {dimension_semantics = [#tpu.dimension_semantics<arbitrary>], iteration_bounds = array<i64: 40>, scalar_prefetch = 0 : i64, scratch_operands = 0 : i64, tpu.core_type = #tpu.core_type<tc>, window_params = [{transform_indices = @transform_0, window_bounds = array<i64: 256, 128>}, {transform_indices = @transform_1, window_bounds = array<i64: 256, 128>}, {transform_indices = @transform_2, window_bounds = array<i64: 256, 128>}, {transform_indices = @transform_3, window_bounds = array<i64: 256, 128>}, {transform_indices = @transform_4, window_bounds = array<i64: 256, 128>}, {transform_indices = @transform_5, window_bounds = array<i64: 256, 16>}, {transform_indices = @transform_6, window_bounds = array<i64: 256, 16>}, {pipeline_mode = #tpu.pipeline_mode<synchronous>, transform_indices = @transform_7, window_bounds = array<i64: 128, 384>}, {pipeline_mode = #tpu.pipeline_mode<synchronous>, transform_indices = @transform_8, window_bounds = array<i64: 128, 384>}, {pipeline_mode = #tpu.pipeline_mode<synchronous>, transform_indices = @transform_9, window_bounds = array<i64: 1, 384>}, {pipeline_mode = #tpu.pipeline_mode<synchronous>, transform_indices = @transform_10, window_bounds = array<i64: 1, 384>}, {transform_indices = @transform_11, window_bounds = array<i64: 256, 128>}, {transform_indices = @transform_12, window_bounds = array<i64: 256, 128>}]} {
    %get3A = arith.constant 0 : index
    %get3A_0 = arith.constant 0 : index
    %get3A_1 = vector.load %arg6[%get3A, %get3A_0] : memref<256x16xf32, #tpu.memory_space<vmem>>, vector<256x16xf32>
    %get3A_2 = arith.constant 0 : index
    %get3A_3 = arith.constant 0 : index
    %get3A_4 = vector.load %arg7[%get3A_2, %get3A_3] : memref<256x16xf32, #tpu.memory_space<vmem>>, vector<256x16xf32>
    %slice3A = vector.extract_strided_slice %get3A_1 {offsets = [0, 0], sizes = [256, 1], strides = [1, 1]} : vector<256x16xf32> to vector<256x1xf32>
    %slice3A_5 = vector.extract_strided_slice %get3A_4 {offsets = [0, 0], sizes = [256, 1], strides = [1, 1]} : vector<256x16xf32> to vector<256x1xf32>
    %add3A = arith.addf %slice3A, %slice3A_5 : vector<256x1xf32>
    %add3A_6 = arith.constant 1.000000e+00 : f32
    %add3A_7 = vector.broadcast %add3A_6 : f32 to vector<256x1xf32>
    %add3A_8 = arith.addf %add3A, %add3A_7 : vector<256x1xf32>
    %rsqrt3A = math.rsqrt %add3A_8 : vector<256x1xf32>
    %get3A_9 = arith.constant 0 : index
    %get3A_10 = arith.constant 0 : index
    %get3A_11 = vector.load %arg1[%get3A_9, %get3A_10] : memref<256x128xf32, #tpu.memory_space<vmem>>, vector<256x128xf32>
    %get3A_12 = arith.constant 0 : index
    %get3A_13 = arith.constant 0 : index
    %get3A_14 = vector.load %arg2[%get3A_12, %get3A_13] : memref<256x128xf32, #tpu.memory_space<vmem>>, vector<256x128xf32>
    %add3A_15 = arith.addf %get3A_11, %get3A_14 : vector<256x128xf32>
    %get3A_16 = arith.constant 0 : index
    %get3A_17 = arith.constant 0 : index
    %get3A_18 = vector.load %arg3[%get3A_16, %get3A_17] : memref<256x128xf32, #tpu.memory_space<vmem>>, vector<256x128xf32>
    %add3A_19 = arith.addf %add3A_15, %get3A_18 : vector<256x128xf32>
    %mul3A = vector.broadcast %rsqrt3A : vector<256x1xf32> to vector<256x128xf32>
    %mul3A_20 = arith.mulf %mul3A, %add3A_19 : vector<256x128xf32>
    %get3A_21 = arith.constant 0 : index
    %get3A_22 = arith.constant 0 : index
    %get3A_23 = vector.load %arg4[%get3A_21, %get3A_22] : memref<256x128xf32, #tpu.memory_space<vmem>>, vector<256x128xf32>
    %get3A_24 = arith.constant 0 : index
    %get3A_25 = arith.constant 0 : index
    %get3A_26 = vector.load %arg8[%get3A_24, %get3A_25] : memref<128x384xf32, #tpu.memory_space<vmem>>, vector<128x384xf32>
    %dot_general3A = arith.constant dense<0.000000e+00> : vector<256x384xf32>
    %dot_general3A_27 = tpu.matmul %mul3A_20, %get3A_26, %dot_general3A {dimension_numbers = #tpu.dot_dimension_numbers<[1], [0], [0], [1], [0, 0, 1, 1], [], []>, transpose_lhs_hint = false} : vector<256x128xf32>, vector<128x384xf32>, vector<256x384xf32> -> vector<256x384xf32>
    %get3A_28 = arith.constant 0 : index
    %get3A_29 = arith.constant 0 : index
    %get3A_30 = vector.load %arg10[%get3A_28, %get3A_29] : memref<1x384xf32, #tpu.memory_space<vmem>>, vector<1x384xf32>
    %add3A_31 = vector.broadcast %get3A_30 : vector<1x384xf32> to vector<256x384xf32>
    %add3A_32 = arith.addf %dot_general3A_27, %add3A_31 : vector<256x384xf32>
    %get3A_33 = arith.constant 0 : index
    %get3A_34 = arith.constant 0 : index
    %get3A_35 = vector.load %arg9[%get3A_33, %get3A_34] : memref<128x384xf32, #tpu.memory_space<vmem>>, vector<128x384xf32>
    %dot_general3A_36 = arith.constant dense<0.000000e+00> : vector<256x384xf32>
    %dot_general3A_37 = tpu.matmul %get3A_23, %get3A_35, %dot_general3A_36 {dimension_numbers = #tpu.dot_dimension_numbers<[1], [0], [0], [1], [0, 0, 1, 1], [], []>, transpose_lhs_hint = false} : vector<256x128xf32>, vector<128x384xf32>, vector<256x384xf32> -> vector<256x384xf32>
    %get3A_38 = arith.constant 0 : index
    %get3A_39 = arith.constant 0 : index
    %get3A_40 = vector.load %arg11[%get3A_38, %get3A_39] : memref<1x384xf32, #tpu.memory_space<vmem>>, vector<1x384xf32>
    %add3A_41 = vector.broadcast %get3A_40 : vector<1x384xf32> to vector<256x384xf32>
    %add3A_42 = arith.addf %dot_general3A_37, %add3A_41 : vector<256x384xf32>
    %slice3A_43 = vector.extract_strided_slice %add3A_32 {offsets = [0, 0], sizes = [256, 128], strides = [1, 1]} : vector<256x384xf32> to vector<256x128xf32>
    %slice3A_44 = vector.extract_strided_slice %add3A_42 {offsets = [0, 0], sizes = [256, 128], strides = [1, 1]} : vector<256x384xf32> to vector<256x128xf32>
    %add3A_45 = arith.addf %slice3A_43, %slice3A_44 : vector<256x128xf32>
    %logistic3A = arith.negf %add3A_45 : vector<256x128xf32>
    %logistic3A_46 = math.exp %logistic3A : vector<256x128xf32>
    %logistic3A_47 = arith.constant 1.000000e+00 : f32
    %logistic3A_48 = vector.broadcast %logistic3A_47 : f32 to vector<256x128xf32>
    %logistic3A_49 = arith.addf %logistic3A_48, %logistic3A_46 : vector<256x128xf32>
    %logistic3A_50 = arith.divf %logistic3A_48, %logistic3A_49 : vector<256x128xf32>
    %slice3A_51 = vector.extract_strided_slice %add3A_32 {offsets = [0, 128], sizes = [256, 128], strides = [1, 1]} : vector<256x384xf32> to vector<256x128xf32>
    %slice3A_52 = vector.extract_strided_slice %add3A_42 {offsets = [0, 128], sizes = [256, 128], strides = [1, 1]} : vector<256x384xf32> to vector<256x128xf32>
    %add3A_53 = arith.addf %slice3A_51, %slice3A_52 : vector<256x128xf32>
    %logistic3A_54 = arith.negf %add3A_53 : vector<256x128xf32>
    %logistic3A_55 = math.exp %logistic3A_54 : vector<256x128xf32>
    %logistic3A_56 = arith.constant 1.000000e+00 : f32
    %logistic3A_57 = vector.broadcast %logistic3A_56 : f32 to vector<256x128xf32>
    %logistic3A_58 = arith.addf %logistic3A_57, %logistic3A_55 : vector<256x128xf32>
    %logistic3A_59 = arith.divf %logistic3A_57, %logistic3A_58 : vector<256x128xf32>
    %slice3A_60 = vector.extract_strided_slice %add3A_32 {offsets = [0, 256], sizes = [256, 128], strides = [1, 1]} : vector<256x384xf32> to vector<256x128xf32>
    %slice3A_61 = vector.extract_strided_slice %add3A_42 {offsets = [0, 256], sizes = [256, 128], strides = [1, 1]} : vector<256x384xf32> to vector<256x128xf32>
    %mul3A_62 = arith.mulf %logistic3A_50, %slice3A_61 : vector<256x128xf32>
    %add3A_63 = arith.addf %slice3A_60, %mul3A_62 : vector<256x128xf32>
    %tanh3A = math.tanh %add3A_63 : vector<256x128xf32>
    %sub3A = arith.constant 1.000000e+00 : f32
    %sub3A_64 = vector.broadcast %sub3A : f32 to vector<256x128xf32>
    %sub3A_65 = arith.subf %sub3A_64, %logistic3A_59 : vector<256x128xf32>
    %mul3A_66 = arith.mulf %sub3A_65, %tanh3A : vector<256x128xf32>
    %mul3A_67 = arith.mulf %logistic3A_59, %get3A_23 : vector<256x128xf32>
    %add3A_68 = arith.addf %mul3A_66, %mul3A_67 : vector<256x128xf32>
    %swap3A = arith.constant 0 : index
    %swap3A_69 = arith.constant 0 : index
    %swap3A_70 = vector.load %arg12[%swap3A, %swap3A_69] : memref<256x128xf32, #tpu.memory_space<vmem>>, vector<256x128xf32>
    tpu.vector_store %arg12[%swap3A, %swap3A_69], %add3A_68 {strides = array<i32>} : memref<256x128xf32, #tpu.memory_space<vmem>>, vector<256x128xf32>,
    %get3A_71 = arith.constant 0 : index
    %get3A_72 = arith.constant 0 : index
    %get3A_73 = vector.load %arg5[%get3A_71, %get3A_72] : memref<256x128xf32, #tpu.memory_space<vmem>>, vector<256x128xf32>
    %max3A = arith.maximumf %get3A_73, %add3A_68 : vector<256x128xf32>
    %swap3A_74 = arith.constant 0 : index
    %swap3A_75 = arith.constant 0 : index
    %swap3A_76 = vector.load %arg13[%swap3A_74, %swap3A_75] : memref<256x128xf32, #tpu.memory_space<vmem>>, vector<256x128xf32>
    tpu.vector_store %arg13[%swap3A_74, %swap3A_75], %max3A {strides = array<i32>} : memref<256x128xf32, #tpu.memory_space<vmem>>, vector<256x128xf32>,
    return
  }
  func.func @transform_0(%arg0: i32) -> (i32, i32) {
    %c0_i32 = arith.constant 0 : i32
    %c0_i32_0 = arith.constant 0 : i32
    return %arg0, %c0_i32 : i32, i32
  }
  func.func @transform_1(%arg0: i32) -> (i32, i32) {
    %c0_i32 = arith.constant 0 : i32
    %c0_i32_0 = arith.constant 0 : i32
    return %arg0, %c0_i32 : i32, i32
  }
  func.func @transform_2(%arg0: i32) -> (i32, i32) {
    %c0_i32 = arith.constant 0 : i32
    %c0_i32_0 = arith.constant 0 : i32
    return %arg0, %c0_i32 : i32, i32
  }
  func.func @transform_3(%arg0: i32) -> (i32, i32) {
    %c0_i32 = arith.constant 0 : i32
    %c0_i32_0 = arith.constant 0 : i32
    return %arg0, %c0_i32 : i32, i32
  }
  func.func @transform_4(%arg0: i32) -> (i32, i32) {
    %c0_i32 = arith.constant 0 : i32
    %c0_i32_0 = arith.constant 0 : i32
    return %arg0, %c0_i32 : i32, i32
  }
  func.func @transform_5(%arg0: i32) -> (i32, i32) {
    %c0_i32 = arith.constant 0 : i32
    %c0_i32_0 = arith.constant 0 : i32
    return %arg0, %c0_i32 : i32, i32
  }
  func.func @transform_6(%arg0: i32) -> (i32, i32) {
    %c0_i32 = arith.constant 0 : i32
    %c0_i32_0 = arith.constant 0 : i32
    return %arg0, %c0_i32 : i32, i32
  }
  func.func @transform_7(%arg0: i32) -> (i32, i32) {
    %c0_i32 = arith.constant 0 : i32
    %c0_i32_0 = arith.constant 0 : i32
    %c0_i32_1 = arith.constant 0 : i32
    return %c0_i32, %c0_i32_0 : i32, i32
  }
  func.func @transform_8(%arg0: i32) -> (i32, i32) {
    %c0_i32 = arith.constant 0 : i32
    %c0_i32_0 = arith.constant 0 : i32
    %c0_i32_1 = arith.constant 0 : i32
    return %c0_i32, %c0_i32_0 : i32, i32
  }
  func.func @transform_9(%arg0: i32) -> (i32, i32) {
    %c0_i32 = arith.constant 0 : i32
    %c0_i32_0 = arith.constant 0 : i32
    %c0_i32_1 = arith.constant 0 : i32
    return %c0_i32, %c0_i32_0 : i32, i32
  }
  func.func @transform_10(%arg0: i32) -> (i32, i32) {
    %c0_i32 = arith.constant 0 : i32
    %c0_i32_0 = arith.constant 0 : i32
    %c0_i32_1 = arith.constant 0 : i32
    return %c0_i32, %c0_i32_0 : i32, i32
  }
  func.func @transform_11(%arg0: i32) -> (i32, i32) {
    %c0_i32 = arith.constant 0 : i32
    %c0_i32_0 = arith.constant 0 : i32
    return %arg0, %c0_i32 : i32, i32
  }
  func.func @transform_12(%arg0: i32) -> (i32, i32) {
    %c0_i32 = arith.constant 0 : i32
    %c0_i32_0 = arith.constant 0 : i32
    return %arg0, %c0_i32 : i32, i32
  }
}

</mosaic_0001>

<sc_bundles>
// kernel: kernel.10.cloned.1.call-start
scs
__scs_entry_jumppad:
0x0: {  	(pc) =	sbr.rel $0x88, $3  }
0x1: {  	(tag) =	ssettag $0x0;
	lr =	simm.s32 $0x1  }
0x2: {  	[smem:$0x3F8B] =	sst lr;
	_ =	strace $0xD0000000  }
0x3: {  	_ = 	snop  }
0x4: {  	_ = 	snop  }
0x5: {  	_ = 	snop  }
0x6: {  	_ = 	snop  }
0x7: {  	_ = 	snop  }
__scs_overlays_trampoline_lowered:
0x8: {  	[smem:$0x3F9A] =	sst s0  }
0x9: {  	[smem:$0x3F9B] =	sst s1  }
0xa: {  	[smem:$0x3F9C] =	sst s2  }
0xb: {  	[smem:$0x3F9D] =	sst s3  }
0xc: {  	[smem:$0x3F9E] =	sst s4  }
0xd: {  	[smem:$0x3F9F] =	sst s5  }
0xe: {  	[smem:$0x3FA0] =	sst s6  }
0xf: {  	[smem:$0x3FA1] =	sst s7  }
0x10: {  	[smem:$0x3FA2] =	sst s8  }
0x11: {  	[smem:$0x3FA3] =	sst s9;
	s0 =	simm.s32 @!p0 $0x0  }
0x12: {  	s1 =	sld [smem:$0x3F89];
	s0 =	simm.s32 @p0 $0x1  }
0x13: {  	[smem:$0x3FA4] =	sst s0;
	s0 =	simm.s32 @!p1 $0x0  }
0x14: {  	s2 =	sld [smem:$0x3F88];
	s0 =	simm.s32 @p1 $0x1  }
0x15: {  	[smem:$0x3FA5] =	sst s0;
	s0 =	simm.s32 @!p2 $0x0  }
0x16: {  	s3 =	sld [smem:$0x3FDB];
	s0 =	simm.s32 @p2 $0x1  }
0x17: {  	s4 =	simm.s32 $0x1BF5;
	[smem:$0x3FA7] =	sst s0  }
0x18: {  	s0 =	sld [smem:$0x3F8A];
	_ =	swait.ge [sflag:s4], $0x0  }
0x19: {  	s7 =	sld [smem:$0x3F8B]  }
0x1a: {  	s8 =	sadd.s32 $0xFFFFE003, lr  }
0x1b: {  	s9 =	sadd.s32 $0xFFFFFEF7, lr;
	s5 =	simm.s32 $0xFFFFFFFF;
	p2 =	slt.u32 s8, $0xFFFFF086  }
0x1c: {  	p1 =	slt.u32 s9, $0xF7A;
	s5 =	simm.s32 @!p2 $0x0  }
0x1d: {  	s5 =	simm.s32 @p1 $0x1;
	p0 =	seq.s32 s7, s2  }
0x1e: {  	s7 =	smul.u32 @!p0 $0xF7A, s2;
	p2 =	seq.s32 @!p0 s5, $0x0  }
0x1f: {  	s9 =	smul.u32 $0xF7A, s1;
	s8 =	simm.s32 @!p0 $0x1BF5;
	p2 =	por !p2, p0  }
0x20: {  	[sflag:s8] =	ssyncset.s32 @!p0 $0xFFFFF086;
	s6 =	sadd.s32 @!p0 s3, s7;
	s7 =	simm.s32 @!p0 $0x108  }
0x21: {  	s3 =	sadd.s32 s3, s9;
	s6 =	sadd.s32 @!p0 $0x88, s6;
	s7 =	simm.s32 @p2 $0x1082  }
0x22: {  	[simem:s7], [sflag:s8] =	dma.local @!p0 [hbm:s6], $0xF7A  }
0x23: {  	s9 =	sor.u32 $0xD0000000, s2;
	s6 =	simm.s32 $0x108;
	_ =	swait.ge @!p0 [sflag:s8], $0x0  }
0x24: {  	s3 =	sadd.s32 $0x88, s3;
	s6 =	simm.s32 @!p1 $0x1082;
	[sflag:s4] =	ssyncset.s32 $0xFFFFF086  }
0x25: {  	[simem:s6], [sflag:s4] =	dma.local [hbm:s3], $0xF7A  }
0x26: {  	[smem:$0x3F8B] =	sst s1;
	(tag) =	ssettag s2;
	_ =	strace s9  }
0x27: {  	s1 =	sld [smem:$0x3F9B]  }
0x28: {  	s2 =	sld [smem:$0x3F9C]  }
0x29: {  	s4 =	sld [smem:$0x3F9E]  }
0x2a: {  	p0 =	seq.s32 s5, $0x0;
	s5 =	sld [smem:$0x3F9F]  }
0x2b: {  	s6 =	sld [smem:$0x3FA0]  }
0x2c: {  	s7 =	sld [smem:$0x3FA1]  }
0x2d: {  	s3 =	simm.s32 $0x108;
	s8 =	sld [smem:$0x3FA2]  }
0x2e: {  	s3 =	simm.s32 @!p0 $0x1082;
	s9 =	sld [smem:$0x3FA3]  }
0x2f: {  	lr =	sadd.s32 s0, s3;
	s0 =	sld [smem:$0x3F9A]  }
0x30: {  	s3 =	sld [smem:$0x3F9D]  }
0x31: {  	[smem:$0x3FA6] =	sst s10  }
0x32: {  	s10 =	sld [smem:$0x3FA4];
	_ =	sdelay $0x3  }
0x33: {  	p0 =	seq.s32 s10, $0x1;
	s10 =	sld [smem:$0x3FA6];
	_ =	sdelay $0x3  }
0x34: {  	[smem:$0x3FA6] =	sst s10  }
0x35: {  	s10 =	sld [smem:$0x3FA5];
	_ =	sdelay $0x3  }
0x36: {  	p1 =	seq.s32 s10, $0x1;
	s10 =	sld [smem:$0x3FA6];
	_ =	sdelay $0x3  }
0x37: {  	[smem:$0x3FA6] =	sst s10  }
0x38: {  	s10 =	sld [smem:$0x3FA7]  }
0x39: {  	_ = 	snop;
	(pc) =	sbr.ind lr, $3  }
0x3a: {  	_ = 	snop  }
0x3b: {  	_ = 	snop  }
0x3c: {  	p2 =	seq.s32 s10, $0x1;
	s10 =	sld [smem:$0x3FA6]  }
0x3d: {  	_ =	shalt  }
0x3e: {  	_ =	shalt  }
0x3f: {  	_ =	shalt  }
0x40: {  	_ =	shalt  }
0x41: {  	_ =	shalt  }
0x42: {  	_ =	shalt  }
0x43: {  	_ =	shalt  }
0x44: {  	_ =	shalt  }
0x45: {  	_ =	shalt  }
0x46: {  	_ =	shalt  }
0x47: {  	_ =	shalt  }
0x48: {  	_ =	shalt  }
0x49: {  	_ =	shalt  }
0x4a: {  	_ =	shalt  }
0x4b: {  	_ =	shalt  }
0x4c: {  	_ =	shalt  }
0x4d: {  	_ =	shalt  }
0x4e: {  	_ =	shalt  }
0x4f: {  	_ =	shalt  }
0x50: {  	_ =	shalt  }
0x51: {  	_ =	shalt  }
0x52: {  	_ =	shalt  }
0x53: {  	_ =	shalt  }
0x54: {  	_ =	shalt  }
0x55: {  	_ =	shalt  }
0x56: {  	_ =	shalt  }
0x57: {  	_ =	shalt  }
0x58: {  	_ =	shalt  }
0x59: {  	_ =	shalt  }
0x5a: {  	_ =	shalt  }
0x5b: {  	_ =	shalt  }
0x5c: {  	_ =	shalt  }
0x5d: {  	_ =	shalt  }
0x5e: {  	_ =	shalt  }
0x5f: {  	_ =	shalt  }
0x60: {  	_ =	shalt  }
0x61: {  	_ =	shalt  }
0x62: {  	_ =	shalt  }
0x63: {  	_ =	shalt  }
0x64: {  	_ =	shalt  }
0x65: {  	_ =	shalt  }
0x66: {  	_ =	shalt  }
0x67: {  	_ =	shalt  }
0x68: {  	_ =	shalt  }
0x69: {  	_ =	shalt  }
0x6a: {  	_ =	shalt  }
0x6b: {  	_ =	shalt  }
0x6c: {  	_ =	shalt  }
0x6d: {  	_ =	shalt  }
0x6e: {  	_ =	shalt  }
0x6f: {  	_ =	shalt  }
0x70: {  	_ =	shalt  }
0x71: {  	_ =	shalt  }
0x72: {  	_ =	shalt  }
0x73: {  	_ =	shalt  }
0x74: {  	_ =	shalt  }
0x75: {  	_ =	shalt  }
0x76: {  	_ =	shalt  }
0x77: {  	_ =	shalt  }
0x78: {  	_ =	shalt  }
0x79: {  	_ =	shalt  }
0x7a: {  	_ =	shalt  }
0x7b: {  	_ =	shalt  }
0x7c: {  	_ =	shalt  }
0x7d: {  	_ =	shalt  }
0x7e: {  	_ =	shalt  }
0x7f: {  	_ =	shalt  }
0x80: {  	_ =	shalt  }
0x81: {  	_ =	shalt  }
0x82: {  	_ =	shalt  }
0x83: {  	_ =	shalt  }
0x84: {  	_ =	shalt  }
0x85: {  	_ =	shalt  }
0x86: {  	_ =	shalt  }
0x87: {  	_ =	shalt  }
.Lfunc_end0:
.L_simem_size_0:
called_computation_lowered:
.L_overlay_start_0:
0x88: {  	s2 =	sld [smem:$0x3FD9]  }
0x89: {  	s3 =	sld [smem:$0x3FFE];
	_ =	sdelay $0x1  }
0x8a: {  	s1 =	srdreg.scid  }
0x8b: {  	s0 =	sand.u32 $0x1, s1  }
0x8c: {  	s17 =	sshll.u32 s0, $0xA;
	s2 =	sadd.s32 s3, s2  }
0x8d: {  	s2 =	sadd.s32 s2, s17  }
0x8e: {  	[smem:$0x3FB2] =	sst s2  }
0x8f: {  	_ = 	snop  }
0x90: {  	s2 =	sld [smem:$0x3FD0];
	(tm) =	ssettm $0x1  }
0x91: {  	s18 =	sld [smem:$0x3FFB];
	_ =	sdelay $0x3  }
0x92: {  	_ =	strace s18  }
0x93: {  	s3 =	sld [smem:$0x3FFC];
	_ =	sdelay $0x3  }
0x94: {  	_ =	strace s3  }
0x95: {  	s3 =	sld [smem:$0x3FFD];
	_ =	sdelay $0x3  }
0x96: {  	_ =	strace s3  }
0x97: {  	_ =	strace $0x8FFFFFFF  }
0x98: {  	s19 =	sld [smem:$0x3FDB];
	_ =	sdelay $0x1  }
0x99: {  	s4 =	simm.s32 $_scs_section_size  }
0x9a: {  	s5 =	simm.s32 $_size__tile_overlayer_lowered;
	s6 =	simm.s32 $_tile_overlayer_lowered  }
0x9b: {  	s22 =	simm.s32 $0x1BFF;
	s21 =	sshll.u32 s6, $0x1;
	s3 =	sadd.s32 s4, s19  }
0x9c: {  	s7 =	simm.s32 $0x0;
	s20 =	sshll.u32 s5, $0x1;
	s5 =	sadd.s32 s21, s3  }
0x9d: {  	[timem:s7], [sflag:s22] =	dma.local [hbm:s5], s20  }
0x9e: {  	_ =	swait.ge [sflag:s22], s20  }
0x9f: {  	s4 =	ssub.s32 $0x0, s20;
	[sflag:s22] =	ssyncset.done $0x0  }
0xa0: {  	[sflag:s22] =	ssyncadd.s32 s4;
	_ =	sdelay $0x1  }
0xa1: {  	s23 =	simm.s32 $0x1B8B  }
0xa2: {  	_ =	swait.ge [sflag:s23], $0x1  }
0xa3: {  	[sflag:s23] =	ssyncset.done $0x0  }
0xa4: {  	s25 =	simm.s32 $0x1B8E;
	s24 =	sld [smem:$0x3FFE];
	[sflag:s23] =	ssyncadd.s32 $0xFFFFFFFF  }
0xa5: {  	s26 =	simm.s32 $execute0_lowered;
	[smem:$0x3FD2] =	sst s25  }
0xa6: {  	s5 =	sshll.u32 s26, $0x1;
	_ =	strace $0x80000046;
	[dreg:$0x1] =	wrdreg $0xFFFFFFFF  }
0xa7: {  	s28 =	simm.s32 $_size_execute0_lowered;
	s3 =	sadd.s32 s3, s5;
	[dreg:$0x0] =	wrdreg $0x0  }
0xa8: {  	s5 =	sshll.u32 s28, $0x1;
	[dreg:$0x2] =	wrdreg s3  }
0xa9: {  	[dreg:$0x3] =	wrdreg s5  }
0xaa: {  	[dreg:$0x4] =	wrdreg $0xC0  }
0xab: {  	_ =	task [dreg:s7], $0x5FFFF  }
0xac: {  	[dreg:$0x1] =	wrdreg $0xFFFFFFFF  }
0xad: {  	[dreg:$0x0] =	wrdreg $0x60  }
0xae: {  	[dreg:$0x2] =	wrdreg s2  }
0xaf: {  	[dreg:$0x3] =	wrdreg s24  }
0xb0: {  	[dreg:$0x4] =	wrdreg $0x68000  }
0xb1: {  	[dreg:$0x5] =	wrdreg $0x9  }
0xb2: {  	_ =	task.clear_ibuf [dreg:s7], $0x6FFFF;
	_ =	strace $0x90000046  }
0xb3: {  	s29 =	simm.s32 $0x9;
	_ =	strace $0x80000048  }
0xb4: {  	_ =	swait.ge [sflag:s29], $0x1  }
0xb5: {  	[sflag:s29] =	ssyncadd.s32 $0xFFFFFFFF  }
0xb6: {  	_ =	strace $0x90000048  }
0xb7: {  	_ =	sfence  }
0xb8: {  	s30 =	sld [smem:$0x0];
	_ =	sdelay $0x2  }
0xb9: {  	s31 =	sshll.u32 s1, $0xD;
	s1 =	sshrl.u32 s1, $0x2  }
0xba: {  	s3 =	sand.u32 $0x4000, s31;
	s1 =	sadd.s32 s1, s30  }
0xbb: {  	s0 =	sor.u32 s3, s0;
	s1 =	sshll.u32 s1, $0x11  }
0xbc: {  	s0 =	sor.u32 s1, s0  }
0xbd: {  	s0 =	sadd.s32 $0x8F2B, s0  }
0xbe: {  	[sflag:s0] =	ssyncadd.remote.s32 $0x1  }
0xbf: {  	_ =	sfence.sel $0xFFFF  }
0xc0: {  	[dreg:$0x0] =	wrdreg $0xFFFFFFFF;
	(pc) =	sbr.abs _section_cstart, $3  }
0xc1: {  	[dreg:$0x1] =	wrdreg $0xFFFFFFFF  }
0xc2: {  	_ =	task.clear_ibuf [dreg:s7], $0x2FFFF;
	_ =	strace $0x9FFFFFFF  }
0xc3: {  	(tm) =	ssettm $0x7FFFFFFF  }
tec
execute0_lowered:
.L_overlay_start_1:
0x0: {  	(tag) =	ssettag $0x1  }
0x1: {  	s6 =	rddreg [dreg:$0x0]  }
0x2: {  	s7 =	rddreg [dreg:$0x1]  }
0x3: {  	s1 =	rddreg [dreg:$0x2]  }
0x4: {  	s0 =	rddreg [dreg:$0x3];
	s3 =	simm.s32 $0x0;
	s2 =	srdreg.scid  }
0x5: {  	s13 =	simm.s32 $0x80;
	[smem:$0x7FF] =	sst s3;
	s8 =	sand.u32 $0x1, s2  }
0x6: {  	s14 =	simm.s32 $0x0;
	s2 =	stileid.u32;
	s9 =	smul.u32 $0x140000, s8  }
0x7: {  	s4 =	sadd.s32 $0x7C00, s7;
	s5 =	sadd.s32 $0x5400, s7;
	s10 =	smul.u32 $0x14000, s2  }
0x8: {  	_ =	strace $0x80000047;
	s11 =	sshll.u32 s2, $0x1;
	s29 =	smul.u32 $0x50000, s2  }
0x9: {  	s31 =	sshll.u32 s2, $0x6;
	s28 =	sor.u32 s8, s11;
	s8 =	ssub.s32 $0x2, s8  }
0xa: {  	s9 =	sadd.s32 s10, s9;
	s10 =	smul.u32 $0x500, s28;
	s30 =	sshrl.u32 s8, $0x1  }
0xb: {  	s11 =	sshrl.u32 s29, $0x2;
	s9 =	sshrl.u32 s9, $0x3;
	s8 =	ssub.s32 s8, s30  }
0xc: {  	s12 =	sadd.s32 s11, s1;
	s11 =	sor.u32 $0x1C01, s31;
	s7 =	sadd.s32 s9, s7  }
0xd: {  	s6 =	sadd.s32 s6, s10;
	s8 =	smax.u32 s8, $0x1;
	s9 =	simm.s32 $0x1  }
0xe: {  	s10 =	simm.s32 $0x2800;
	s12 =	sshrl.u32 s12, $0x3;
	s7 =	sadd.s32 $0x8400, s7  }
.LBB2_1:
0xf: {  	[tilespmem:s3], [sflag:$0x1] =	stream.linear.gather [hbm4b:s6+s3], $0x2780, $0x38;
	[tilespmem:$0x9000] =	vst v63  }
0x10: {  	_ =	swait.ge [sflag:s9], $0x2780  }
0x11: {  	[sflag:s9] =	ssyncset.done $0x0  }
0x12: {  	[sflag:s9] =	ssyncadd.s32 $0xFFFFD880  }
0x13: {  	[tilespmem:s10], [sflag:$0x1] =	stream.linear.gather [hbm4b:s4+s3], $0x4000, $0x38;
	[tilespmem:$0x9000] =	vst v63  }
0x14: {  	_ =	swait.ge [sflag:s9], $0x4000  }
0x15: {  	[sflag:s9] =	ssyncset.done $0x0  }
0x16: {  	[sflag:s9] =	ssyncadd.s32 $0xFFFFC000  }
0x17: {  	[spmem:s12], [sflag:s11] =	dma.local [hbm:s5], $0x2800  }
0x18: {  	_ =	swait.ge [sflag:s9], $0x2800  }
0x19: {  	[sflag:s9] =	ssyncset.done $0x0  }
0x1a: {  	[sflag:s9] =	ssyncadd.s32 $0xFFFFD800  }
0x1b: {  	s15 =	simm.s32 $0x0;
	[bflag:$0x0] =	sbarrier.arrive $0xFFFF  }
0x1c: {  	[spmem:s1] =	stream.indirect.scatter.add.f32 [tilespmem:s10], [sflag:$0x1], $0x10, s15, s13, $0xb8;
	[tilespmem:$0x9000] =	vst v63  }
0x1d: {  	_ =	swait.ge [sflag:s9], $0x800  }
0x1e: {  	s15 =	simm.s32 $0x200;
	[sflag:s9] =	ssyncset.done $0x0  }
.LBB2_2:
0x1f: {  	s16 =	sshra.s32 s15, $0x2;
	[sflag:s9] =	ssyncadd.s32 $0xFFFFF800;
	p0 =	sne.s32 s15, $0x9C00  }
0x20: {  	[spmem:s1] =	stream.indirect.scatter.add.f32 [tilespmem:s10], [sflag:$0x1], $0x10, s16, s13, $0xb8;
	[tilespmem:$0x9000] =	vst v63  }
.Ltmp0:
0x21: {  	_ = 	snop;
	(pc) =	sbr.rel @p0 .LBB2_2-.Ltmp0, $4  }
0x22: {  	_ = 	snop  }
0x23: {  	s15 =	sadd.s32 $0x200, s15  }
0x24: {  	_ =	swait.ge [sflag:s9], $0x800  }
0x25: {  	[sflag:s9] =	ssyncset.done $0x0  }
0x26: {  	s14 =	sadd.s32 $0x1, s14  }
0x27: {  	[sflag:s9] =	ssyncadd.s32 $0xFFFFF800;
	p0 =	sne.s32 s14, s8  }
.Ltmp1:
0x28: {  	[bflag:$0x0] =	sbarrier.arrive $0xFFFF;
	(pc) =	sbr.rel @p0 .LBB2_1-.Ltmp1, $4  }
0x29: {  	[hbm:s7], [sflag:s11] =	dma.local [spmem:s12], $0x2800  }
0x2a: {  	_ =	swait.ge [sflag:s9], $0x2800  }
0x2b: {  	[sflag:s9] =	ssyncset.done $0x0  }
0x2c: {  	[sflag:s9] =	ssyncadd.s32 $0xFFFFD800  }
0x2d: {  	_ =	sfence.sel $0x180000  }
0x2e: {  	[bflag:$0x0] =	sbarrier.arrive $0xFFFF  }
0x2f: {  	p0 =	sne.s32 s2, $0x0;
	_ =	strace $0x90000047  }
0x30: {  	s0 =	sadd.s32 @!p0 $0x100000, s0;
	[bflag:$0x2] =	sbarrier.arrive $0xFFFF  }
0x31: {  	[sflag:s0] =	ssyncadd.tile.s32 @!p0 $0x1;
	_ =	shalt  }
.Lfunc_end2:
_tile_overlayer_lowered:
.L_overlay_start_2:
0x32: {  	(tag) =	ssettag $0x2  }
0x33: {  	s0 =	rddreg [dreg:$0x0];
	s2 =	stileid.u32  }
0x34: {  	s1 =	rddreg [dreg:$0x1];
	p0 =	sne.s32 s2, $0x0  }
0x35: {  	s3 =	rddreg [dreg:$0x2];
	[bflag:$0x3] =	sbarrier.arrive $0xFFFF;
	s2 =	simm.s32 @!p0 $0x1C01  }
0x36: {  	[timem:s3], [sflag:s2] =	dma.local @!p0 [hbm:s0], s1  }
0x37: {  	s0 =	simm.s32 @!p0 $0x1  }
0x38: {  	_ =	swait.ge @!p0 [sflag:s0], s1  }
0x39: {  	s1 =	ssub.s32 @!p0 $0x0, s1;
	[sflag:s0] =	ssyncset.done @!p0 $0x0  }
0x3a: {  	[sflag:s0] =	ssyncadd.s32 @!p0 s1  }
0x3b: {  	[bflag:$0x3] =	sbarrier.arrive $0xFFFF  }
0x3c: {  	_ =	shalt  }

// kernel: kernel.13.cloned.1.call-start
scs
__scs_entry_jumppad:
0x0: {  	(pc) =	sbr.rel $0x88, $3  }
0x1: {  	(tag) =	ssettag $0x0;
	lr =	simm.s32 $0x1  }
0x2: {  	[smem:$0x3F8B] =	sst lr;
	_ =	strace $0xD0000000  }
0x3: {  	_ = 	snop  }
0x4: {  	_ = 	snop  }
0x5: {  	_ = 	snop  }
0x6: {  	_ = 	snop  }
0x7: {  	_ = 	snop  }
__scs_overlays_trampoline_lowered:
0x8: {  	[smem:$0x3F9A] =	sst s0  }
0x9: {  	[smem:$0x3F9B] =	sst s1  }
0xa: {  	[smem:$0x3F9C] =	sst s2  }
0xb: {  	[smem:$0x3F9D] =	sst s3  }
0xc: {  	[smem:$0x3F9E] =	sst s4  }
0xd: {  	[smem:$0x3F9F] =	sst s5  }
0xe: {  	[smem:$0x3FA0] =	sst s6  }
0xf: {  	[smem:$0x3FA1] =	sst s7  }
0x10: {  	[smem:$0x3FA2] =	sst s8  }
0x11: {  	[smem:$0x3FA3] =	sst s9;
	s0 =	simm.s32 @!p0 $0x0  }
0x12: {  	s1 =	sld [smem:$0x3F89];
	s0 =	simm.s32 @p0 $0x1  }
0x13: {  	[smem:$0x3FA4] =	sst s0;
	s0 =	simm.s32 @!p1 $0x0  }
0x14: {  	s2 =	sld [smem:$0x3F88];
	s0 =	simm.s32 @p1 $0x1  }
0x15: {  	[smem:$0x3FA5] =	sst s0;
	s0 =	simm.s32 @!p2 $0x0  }
0x16: {  	s3 =	sld [smem:$0x3FDB];
	s0 =	simm.s32 @p2 $0x1  }
0x17: {  	s4 =	simm.s32 $0x1BF5;
	[smem:$0x3FA7] =	sst s0  }
0x18: {  	s0 =	sld [smem:$0x3F8A];
	_ =	swait.ge [sflag:s4], $0x0  }
0x19: {  	s7 =	sld [smem:$0x3F8B]  }
0x1a: {  	s8 =	sadd.s32 $0xFFFFE003, lr  }
0x1b: {  	s9 =	sadd.s32 $0xFFFFFEF7, lr;
	s5 =	simm.s32 $0xFFFFFFFF;
	p2 =	slt.u32 s8, $0xFFFFF086  }
0x1c: {  	p1 =	slt.u32 s9, $0xF7A;
	s5 =	simm.s32 @!p2 $0x0  }
0x1d: {  	s5 =	simm.s32 @p1 $0x1;
	p0 =	seq.s32 s7, s2  }
0x1e: {  	s7 =	smul.u32 @!p0 $0xF7A, s2;
	p2 =	seq.s32 @!p0 s5, $0x0  }
0x1f: {  	s9 =	smul.u32 $0xF7A, s1;
	s8 =	simm.s32 @!p0 $0x1BF5;
	p2 =	por !p2, p0  }
0x20: {  	[sflag:s8] =	ssyncset.s32 @!p0 $0xFFFFF086;
	s6 =	sadd.s32 @!p0 s3, s7;
	s7 =	simm.s32 @!p0 $0x108  }
0x21: {  	s3 =	sadd.s32 s3, s9;
	s6 =	sadd.s32 @!p0 $0x88, s6;
	s7 =	simm.s32 @p2 $0x1082  }
0x22: {  	[simem:s7], [sflag:s8] =	dma.local @!p0 [hbm:s6], $0xF7A  }
0x23: {  	s9 =	sor.u32 $0xD0000000, s2;
	s6 =	simm.s32 $0x108;
	_ =	swait.ge @!p0 [sflag:s8], $0x0  }
0x24: {  	s3 =	sadd.s32 $0x88, s3;
	s6 =	simm.s32 @!p1 $0x1082;
	[sflag:s4] =	ssyncset.s32 $0xFFFFF086  }
0x25: {  	[simem:s6], [sflag:s4] =	dma.local [hbm:s3], $0xF7A  }
0x26: {  	[smem:$0x3F8B] =	sst s1;
	(tag) =	ssettag s2;
	_ =	strace s9  }
0x27: {  	s1 =	sld [smem:$0x3F9B]  }
0x28: {  	s2 =	sld [smem:$0x3F9C]  }
0x29: {  	s4 =	sld [smem:$0x3F9E]  }
0x2a: {  	p0 =	seq.s32 s5, $0x0;
	s5 =	sld [smem:$0x3F9F]  }
0x2b: {  	s6 =	sld [smem:$0x3FA0]  }
0x2c: {  	s7 =	sld [smem:$0x3FA1]  }
0x2d: {  	s3 =	simm.s32 $0x108;
	s8 =	sld [smem:$0x3FA2]  }
0x2e: {  	s3 =	simm.s32 @!p0 $0x1082;
	s9 =	sld [smem:$0x3FA3]  }
0x2f: {  	lr =	sadd.s32 s0, s3;
	s0 =	sld [smem:$0x3F9A]  }
0x30: {  	s3 =	sld [smem:$0x3F9D]  }
0x31: {  	[smem:$0x3FA6] =	sst s10  }
0x32: {  	s10 =	sld [smem:$0x3FA4];
	_ =	sdelay $0x3  }
0x33: {  	p0 =	seq.s32 s10, $0x1;
	s10 =	sld [smem:$0x3FA6];
	_ =	sdelay $0x3  }
0x34: {  	[smem:$0x3FA6] =	sst s10  }
0x35: {  	s10 =	sld [smem:$0x3FA5];
	_ =	sdelay $0x3  }
0x36: {  	p1 =	seq.s32 s10, $0x1;
	s10 =	sld [smem:$0x3FA6];
	_ =	sdelay $0x3  }
0x37: {  	[smem:$0x3FA6] =	sst s10  }
0x38: {  	s10 =	sld [smem:$0x3FA7]  }
0x39: {  	_ = 	snop;
	(pc) =	sbr.ind lr, $3  }
0x3a: {  	_ = 	snop  }
0x3b: {  	_ = 	snop  }
0x3c: {  	p2 =	seq.s32 s10, $0x1;
	s10 =	sld [smem:$0x3FA6]  }
0x3d: {  	_ =	shalt  }
0x3e: {  	_ =	shalt  }
0x3f: {  	_ =	shalt  }
0x40: {  	_ =	shalt  }
0x41: {  	_ =	shalt  }
0x42: {  	_ =	shalt  }
0x43: {  	_ =	shalt  }
0x44: {  	_ =	shalt  }
0x45: {  	_ =	shalt  }
0x46: {  	_ =	shalt  }
0x47: {  	_ =	shalt  }
0x48: {  	_ =	shalt  }
0x49: {  	_ =	shalt  }
0x4a: {  	_ =	shalt  }
0x4b: {  	_ =	shalt  }
0x4c: {  	_ =	shalt  }
0x4d: {  	_ =	shalt  }
0x4e: {  	_ =	shalt  }
0x4f: {  	_ =	shalt  }
0x50: {  	_ =	shalt  }
0x51: {  	_ =	shalt  }
0x52: {  	_ =	shalt  }
0x53: {  	_ =	shalt  }
0x54: {  	_ =	shalt  }
0x55: {  	_ =	shalt  }
0x56: {  	_ =	shalt  }
0x57: {  	_ =	shalt  }
0x58: {  	_ =	shalt  }
0x59: {  	_ =	shalt  }
0x5a: {  	_ =	shalt  }
0x5b: {  	_ =	shalt  }
0x5c: {  	_ =	shalt  }
0x5d: {  	_ =	shalt  }
0x5e: {  	_ =	shalt  }
0x5f: {  	_ =	shalt  }
0x60: {  	_ =	shalt  }
0x61: {  	_ =	shalt  }
0x62: {  	_ =	shalt  }
0x63: {  	_ =	shalt  }
0x64: {  	_ =	shalt  }
0x65: {  	_ =	shalt  }
0x66: {  	_ =	shalt  }
0x67: {  	_ =	shalt  }
0x68: {  	_ =	shalt  }
0x69: {  	_ =	shalt  }
0x6a: {  	_ =	shalt  }
0x6b: {  	_ =	shalt  }
0x6c: {  	_ =	shalt  }
0x6d: {  	_ =	shalt  }
0x6e: {  	_ =	shalt  }
0x6f: {  	_ =	shalt  }
0x70: {  	_ =	shalt  }
0x71: {  	_ =	shalt  }
0x72: {  	_ =	shalt  }
0x73: {  	_ =	shalt  }
0x74: {  	_ =	shalt  }
0x75: {  	_ =	shalt  }
0x76: {  	_ =	shalt  }
0x77: {  	_ =	shalt  }
0x78: {  	_ =	shalt  }
0x79: {  	_ =	shalt  }
0x7a: {  	_ =	shalt  }
0x7b: {  	_ =	shalt  }
0x7c: {  	_ =	shalt  }
0x7d: {  	_ =	shalt  }
0x7e: {  	_ =	shalt  }
0x7f: {  	_ =	shalt  }
0x80: {  	_ =	shalt  }
0x81: {  	_ =	shalt  }
0x82: {  	_ =	shalt  }
0x83: {  	_ =	shalt  }
0x84: {  	_ =	shalt  }
0x85: {  	_ =	shalt  }
0x86: {  	_ =	shalt  }
0x87: {  	_ =	shalt  }
.Lfunc_end0:
.L_simem_size_0:
called_computation.1_lowered:
.L_overlay_start_0:
0x88: {  	s2 =	sld [smem:$0x3FD9]  }
0x89: {  	s3 =	sld [smem:$0x3FFE];
	_ =	sdelay $0x1  }
0x8a: {  	s1 =	srdreg.scid  }
0x8b: {  	s0 =	sand.u32 $0x1, s1  }
0x8c: {  	s17 =	sshll.u32 s0, $0xA;
	s2 =	sadd.s32 s3, s2  }
0x8d: {  	s2 =	sadd.s32 s2, s17  }
0x8e: {  	[smem:$0x3FB2] =	sst s2  }
0x8f: {  	_ = 	snop  }
0x90: {  	s2 =	sld [smem:$0x3FD0];
	(tm) =	ssettm $0x1  }
0x91: {  	s18 =	sld [smem:$0x3FFB];
	_ =	sdelay $0x3  }
0x92: {  	_ =	strace s18  }
0x93: {  	s3 =	sld [smem:$0x3FFC];
	_ =	sdelay $0x3  }
0x94: {  	_ =	strace s3  }
0x95: {  	s3 =	sld [smem:$0x3FFD];
	_ =	sdelay $0x3  }
0x96: {  	_ =	strace s3  }
0x97: {  	_ =	strace $0x8FFFFFFF  }
0x98: {  	s19 =	sld [smem:$0x3FDB];
	_ =	sdelay $0x1  }
0x99: {  	s4 =	simm.s32 $_scs_section_size  }
0x9a: {  	s5 =	simm.s32 $_size__tile_overlayer_lowered;
	s6 =	simm.s32 $_tile_overlayer_lowered  }
0x9b: {  	s22 =	simm.s32 $0x1BFF;
	s21 =	sshll.u32 s6, $0x1;
	s3 =	sadd.s32 s4, s19  }
0x9c: {  	s7 =	simm.s32 $0x0;
	s20 =	sshll.u32 s5, $0x1;
	s5 =	sadd.s32 s21, s3  }
0x9d: {  	[timem:s7], [sflag:s22] =	dma.local [hbm:s5], s20  }
0x9e: {  	_ =	swait.ge [sflag:s22], s20  }
0x9f: {  	s4 =	ssub.s32 $0x0, s20;
	[sflag:s22] =	ssyncset.done $0x0  }
0xa0: {  	[sflag:s22] =	ssyncadd.s32 s4;
	_ =	sdelay $0x1  }
0xa1: {  	s23 =	simm.s32 $0x1B8B  }
0xa2: {  	_ =	swait.ge [sflag:s23], $0x1  }
0xa3: {  	[sflag:s23] =	ssyncset.done $0x0  }
0xa4: {  	s25 =	simm.s32 $0x1B8E;
	s24 =	sld [smem:$0x3FFE];
	[sflag:s23] =	ssyncadd.s32 $0xFFFFFFFF  }
0xa5: {  	s26 =	simm.s32 $execute0_lowered;
	[smem:$0x3FD2] =	sst s25  }
0xa6: {  	s5 =	sshll.u32 s26, $0x1;
	_ =	strace $0x80000049;
	[dreg:$0x1] =	wrdreg $0xFFFFFFFF  }
0xa7: {  	s28 =	simm.s32 $_size_execute0_lowered;
	s3 =	sadd.s32 s3, s5;
	[dreg:$0x0] =	wrdreg $0x0  }
0xa8: {  	s5 =	sshll.u32 s28, $0x1;
	[dreg:$0x2] =	wrdreg s3  }
0xa9: {  	[dreg:$0x3] =	wrdreg s5  }
0xaa: {  	[dreg:$0x4] =	wrdreg $0xC0  }
0xab: {  	_ =	task [dreg:s7], $0x5FFFF  }
0xac: {  	[dreg:$0x1] =	wrdreg $0xFFFFFFFF  }
0xad: {  	[dreg:$0x0] =	wrdreg $0x60  }
0xae: {  	[dreg:$0x2] =	wrdreg s24  }
0xaf: {  	[dreg:$0x3] =	wrdreg s2  }
0xb0: {  	[dreg:$0x4] =	wrdreg $0x90000  }
0xb1: {  	[dreg:$0x5] =	wrdreg $0x9  }
0xb2: {  	_ =	task.clear_ibuf [dreg:s7], $0x6FFFF;
	_ =	strace $0x90000049  }
0xb3: {  	s29 =	simm.s32 $0x9;
	_ =	strace $0x8000004B  }
0xb4: {  	_ =	swait.ge [sflag:s29], $0x1  }
0xb5: {  	[sflag:s29] =	ssyncadd.s32 $0xFFFFFFFF  }
0xb6: {  	_ =	strace $0x9000004B  }
0xb7: {  	_ =	sfence  }
0xb8: {  	s30 =	sld [smem:$0x0];
	_ =	sdelay $0x2  }
0xb9: {  	s31 =	sshll.u32 s1, $0xD;
	s1 =	sshrl.u32 s1, $0x2  }
0xba: {  	s3 =	sand.u32 $0x4000, s31;
	s1 =	sadd.s32 s1, s30  }
0xbb: {  	s0 =	sor.u32 s3, s0;
	s1 =	sshll.u32 s1, $0x11  }
0xbc: {  	s0 =	sor.u32 s1, s0  }
0xbd: {  	s0 =	sadd.s32 $0x8F2B, s0  }
0xbe: {  	[sflag:s0] =	ssyncadd.remote.s32 $0x1  }
0xbf: {  	_ =	sfence.sel $0xFFFF  }
0xc0: {  	[dreg:$0x0] =	wrdreg $0xFFFFFFFF;
	(pc) =	sbr.abs _section_cstart, $3  }
0xc1: {  	[dreg:$0x1] =	wrdreg $0xFFFFFFFF  }
0xc2: {  	_ =	task.clear_ibuf [dreg:s7], $0x2FFFF;
	_ =	strace $0x9FFFFFFF  }
0xc3: {  	(tm) =	ssettm $0x7FFFFFFF  }
tec
execute0_lowered:
.L_overlay_start_1:
0x0: {  	(tag) =	ssettag $0x1  }
0x1: {  	s1 =	srdreg.scid;
	s6 =	rddreg [dreg:$0x0]  }
0x2: {  	s0 =	stileid.u32;
	s7 =	rddreg [dreg:$0x1]  }
0x3: {  	s2 =	rddreg [dreg:$0x2];
	s3 =	simm.s32 $0x0;
	s14 =	simm.s32 $0x80  }
0x4: {  	s15 =	simm.s32 $0x5000;
	s16 =	simm.s32 $0x1;
	s17 =	simm.s32 $0x0  }
0x5: {  	s5 =	sand.u32 $0x1, s1;
	s28 =	sshll.u32 s0, $0x1;
	s10 =	smul.u32 $0x14000, s0  }
0x6: {  	[smem:$0x7FF] =	sst s3;
	s4 =	sadd.s32 $0x2D400, s6;
	s13 =	smul.u32 $0x50000, s0  }
0x7: {  	s31 =	sshll.u32 s0, $0x6;
	s1 =	sor.u32 s5, s28;
	s9 =	smul.u32 $0x140000, s5  }
0x8: {  	s29 =	ssub.s32 $0x2, s5;
	s5 =	sadd.s32 $0x55400, s6;
	s8 =	smul.u32 $0x500, s1  }
0x9: {  	s1 =	rddreg [dreg:$0x3];
	_ =	strace $0x8000004A;
	s12 =	sshrl.u32 s29, $0x1  }
0xa: {  	s30 =	sshrl.u32 s13, $0x2;
	s9 =	sadd.s32 s10, s9;
	s10 =	ssub.s32 s29, s12  }
0xb: {  	s13 =	sadd.s32 s30, s2;
	s12 =	sor.u32 $0x1C02, s31;
	s9 =	sshrl.u32 s9, $0x3  }
0xc: {  	s11 =	sadd.s32 s8, s6;
	s13 =	sshrl.u32 s13, $0x3;
	s9 =	sadd.s32 s9, s6  }
0xd: {  	s6 =	sadd.s32 s7, s8;
	s7 =	sadd.s32 $0x58400, s11;
	s11 =	simm.s32 $0x2800  }
0xe: {  	s8 =	sadd.s32 $0xB2400, s9;
	s9 =	smax.u32 s10, $0x1;
	s10 =	simm.s32 $0x2  }
.LBB2_1:
0xf: {  	[tilespmem:s3], [sflag:$0x2] =	stream.linear.gather [hbm4b:s6+s3], $0x2780, $0x38;
	[tilespmem:$0x1D000] =	vst v63  }
0x10: {  	_ =	swait.ge [sflag:s10], $0x2780  }
0x11: {  	[sflag:s10] =	ssyncset.done $0x0  }
0x12: {  	[sflag:s10] =	ssyncadd.s32 $0xFFFFD880  }
0x13: {  	[tilespmem:s11], [sflag:$0x2] =	stream.linear.gather [hbm4b:s7+s3], $0x2780, $0x38;
	[tilespmem:$0x1D000] =	vst v63  }
0x14: {  	_ =	swait.ge [sflag:s10], $0x2780  }
0x15: {  	[sflag:s10] =	ssyncset.done $0x0  }
0x16: {  	[sflag:s10] =	ssyncadd.s32 $0xFFFFD880  }
0x17: {  	[spmem:s13], [sflag:s12] =	dma.local [hbm:s5], $0x2800  }
0x18: {  	_ =	swait.ge [sflag:s10], $0x2800  }
0x19: {  	[sflag:s10] =	ssyncset.done $0x0  }
0x1a: {  	[sflag:s10] =	ssyncadd.s32 $0xFFFFD800  }
0x1b: {  	s18 =	simm.s32 $0x0;
	[bflag:$0x0] =	sbarrier.arrive $0xFFFF  }
0x1c: {  	[tilespmem:s15], [sflag:$0x1] =	stream.indirect.gather [hbm4b:s4+s14], $0x80, s18, s14, $0xb8;
	[tilespmem:$0x1D000] =	vst v63  }
0x1d: {  	_ =	swait.ge [sflag:s16], $0x4000  }
0x1e: {  	[sflag:s16] =	ssyncset.done $0x0  }
0x1f: {  	s31 =	simm.s32 $0x2800;
	[sflag:s16] =	ssyncadd.s32 $0xFFFFC000  }
0x20: {  	[spmem:s2] =	stream.indirect.scatter.add.f32 [tilespmem:s15], [sflag:$0x2], $0x80, s31, s14, $0xb8;
	[tilespmem:$0x1D000] =	vst v63  }
0x21: {  	_ =	swait.ge [sflag:s10], $0x4000  }
0x22: {  	s19 =	simm.s32 $0x400;
	s18 =	simm.s32 $0x200;
	[sflag:s10] =	ssyncset.done $0x0  }
.LBB2_2:
0x23: {  	s20 =	sshra.s32 s18, $0x2  }
0x24: {  	[sflag:s10] =	ssyncadd.s32 $0xFFFFC000;
	s18 =	smov.u32 s19;
	s21 =	sadd.s32 $0x200, s19  }
0x25: {  	[tilespmem:s15], [sflag:$0x1] =	stream.indirect.gather [hbm4b:s4+s14], $0x80, s20, s14, $0xb8;
	[tilespmem:$0x1D000] =	vst v63  }
0x26: {  	p0 =	sne.s32 s19, $0x9C00;
	_ =	swait.ge [sflag:s16], $0x4000  }
.Ltmp0:
0x27: {  	[sflag:s16] =	ssyncset.done $0x0;
	(pc) =	sbr.rel @p0 .LBB2_2-.Ltmp0, $4  }
0x28: {  	s19 =	sadd.s32 $0x2800, s20;
	[sflag:s16] =	ssyncadd.s32 $0xFFFFC000  }
0x29: {  	[spmem:s2] =	stream.indirect.scatter.add.f32 [tilespmem:s15], [sflag:$0x2], $0x80, s19, s14, $0xb8;
	[tilespmem:$0x1D000] =	vst v63  }
0x2a: {  	_ =	swait.ge [sflag:s10], $0x4000  }
0x2b: {  	s19 =	smov.u32 s21;
	[sflag:s10] =	ssyncset.done $0x0  }
0x2c: {  	s18 =	sshra.s32 s18, $0x2;
	[sflag:s10] =	ssyncadd.s32 $0xFFFFC000  }
0x2d: {  	[tilespmem:s15], [sflag:$0x1] =	stream.indirect.gather [hbm4b:s4+s14], $0x80, s18, s14, $0xb8;
	[tilespmem:$0x1D000] =	vst v63  }
0x2e: {  	_ =	swait.ge [sflag:s16], $0x4000  }
0x2f: {  	[sflag:s16] =	ssyncset.done $0x0  }
0x30: {  	s18 =	sadd.s32 $0x2800, s18;
	[sflag:s16] =	ssyncadd.s32 $0xFFFFC000  }
0x31: {  	[spmem:s2] =	stream.indirect.scatter.add.f32 [tilespmem:s15], [sflag:$0x2], $0x80, s18, s14, $0xb8;
	[tilespmem:$0x1D000] =	vst v63  }
0x32: {  	_ =	swait.ge [sflag:s10], $0x4000  }
0x33: {  	s17 =	sadd.s32 $0x1, s17;
	[sflag:s10] =	ssyncset.done $0x0  }
0x34: {  	p0 =	sne.s32 s17, s9;
	[sflag:s10] =	ssyncadd.s32 $0xFFFFC000  }
.Ltmp1:
0x35: {  	[bflag:$0x0] =	sbarrier.arrive $0xFFFF;
	(pc) =	sbr.rel @p0 .LBB2_1-.Ltmp1, $4  }
0x36: {  	[hbm:s8], [sflag:s12] =	dma.local [spmem:s13], $0x2800  }
0x37: {  	_ =	swait.ge [sflag:s10], $0x2800  }
0x38: {  	[sflag:s10] =	ssyncset.done $0x0  }
0x39: {  	[sflag:s10] =	ssyncadd.s32 $0xFFFFD800  }
0x3a: {  	_ =	sfence.sel $0x180000  }
0x3b: {  	[bflag:$0x0] =	sbarrier.arrive $0xFFFF  }
0x3c: {  	p0 =	sne.s32 s0, $0x0;
	_ =	strace $0x9000004A  }
0x3d: {  	s0 =	sadd.s32 @!p0 $0x100000, s1;
	[bflag:$0x2] =	sbarrier.arrive $0xFFFF  }
0x3e: {  	[sflag:s0] =	ssyncadd.tile.s32 @!p0 $0x1;
	_ =	shalt  }
.Lfunc_end2:
_tile_overlayer_lowered:
.L_overlay_start_2:
0x3f: {  	(tag) =	ssettag $0x2  }
0x40: {  	s0 =	rddreg [dreg:$0x0];
	s2 =	stileid.u32  }
0x41: {  	s1 =	rddreg [dreg:$0x1];
	p0 =	sne.s32 s2, $0x0  }
0x42: {  	s3 =	rddreg [dreg:$0x2];
	[bflag:$0x3] =	sbarrier.arrive $0xFFFF;
	s2 =	simm.s32 @!p0 $0x1C02  }
0x43: {  	[timem:s3], [sflag:s2] =	dma.local @!p0 [hbm:s0], s1  }
0x44: {  	s0 =	simm.s32 @!p0 $0x2  }
0x45: {  	_ =	swait.ge @!p0 [sflag:s0], s1  }
0x46: {  	s1 =	ssub.s32 @!p0 $0x0, s1;
	[sflag:s0] =	ssyncset.done @!p0 $0x0  }
0x47: {  	[sflag:s0] =	ssyncadd.s32 @!p0 s1  }
0x48: {  	[bflag:$0x3] =	sbarrier.arrive $0xFFFF  }
0x49: {  	_ =	shalt  }

// kernel: kernel.16.cloned.1.call-start
scs
__scs_entry_jumppad:
0x0: {  	(pc) =	sbr.rel $0x88, $3  }
0x1: {  	(tag) =	ssettag $0x0;
	lr =	simm.s32 $0x1  }
0x2: {  	[smem:$0x3F8B] =	sst lr;
	_ =	strace $0xD0000000  }
0x3: {  	_ = 	snop  }
0x4: {  	_ = 	snop  }
0x5: {  	_ = 	snop  }
0x6: {  	_ = 	snop  }
0x7: {  	_ = 	snop  }
__scs_overlays_trampoline_lowered:
0x8: {  	[smem:$0x3F9A] =	sst s0  }
0x9: {  	[smem:$0x3F9B] =	sst s1  }
0xa: {  	[smem:$0x3F9C] =	sst s2  }
0xb: {  	[smem:$0x3F9D] =	sst s3  }
0xc: {  	[smem:$0x3F9E] =	sst s4  }
0xd: {  	[smem:$0x3F9F] =	sst s5  }
0xe: {  	[smem:$0x3FA0] =	sst s6  }
0xf: {  	[smem:$0x3FA1] =	sst s7  }
0x10: {  	[smem:$0x3FA2] =	sst s8  }
0x11: {  	[smem:$0x3FA3] =	sst s9;
	s0 =	simm.s32 @!p0 $0x0  }
0x12: {  	s1 =	sld [smem:$0x3F89];
	s0 =	simm.s32 @p0 $0x1  }
0x13: {  	[smem:$0x3FA4] =	sst s0;
	s0 =	simm.s32 @!p1 $0x0  }
0x14: {  	s2 =	sld [smem:$0x3F88];
	s0 =	simm.s32 @p1 $0x1  }
0x15: {  	[smem:$0x3FA5] =	sst s0;
	s0 =	simm.s32 @!p2 $0x0  }
0x16: {  	s3 =	sld [smem:$0x3FDB];
	s0 =	simm.s32 @p2 $0x1  }
0x17: {  	s4 =	simm.s32 $0x1BF5;
	[smem:$0x3FA7] =	sst s0  }
0x18: {  	s0 =	sld [smem:$0x3F8A];
	_ =	swait.ge [sflag:s4], $0x0  }
0x19: {  	s7 =	sld [smem:$0x3F8B]  }
0x1a: {  	s8 =	sadd.s32 $0xFFFFE003, lr  }
0x1b: {  	s9 =	sadd.s32 $0xFFFFFEF7, lr;
	s5 =	simm.s32 $0xFFFFFFFF;
	p2 =	slt.u32 s8, $0xFFFFF086  }
0x1c: {  	p1 =	slt.u32 s9, $0xF7A;
	s5 =	simm.s32 @!p2 $0x0  }
0x1d: {  	s5 =	simm.s32 @p1 $0x1;
	p0 =	seq.s32 s7, s2  }
0x1e: {  	s7 =	smul.u32 @!p0 $0xF7A, s2;
	p2 =	seq.s32 @!p0 s5, $0x0  }
0x1f: {  	s9 =	smul.u32 $0xF7A, s1;
	s8 =	simm.s32 @!p0 $0x1BF5;
	p2 =	por !p2, p0  }
0x20: {  	[sflag:s8] =	ssyncset.s32 @!p0 $0xFFFFF086;
	s6 =	sadd.s32 @!p0 s3, s7;
	s7 =	simm.s32 @!p0 $0x108  }
0x21: {  	s3 =	sadd.s32 s3, s9;
	s6 =	sadd.s32 @!p0 $0x88, s6;
	s7 =	simm.s32 @p2 $0x1082  }
0x22: {  	[simem:s7], [sflag:s8] =	dma.local @!p0 [hbm:s6], $0xF7A  }
0x23: {  	s9 =	sor.u32 $0xD0000000, s2;
	s6 =	simm.s32 $0x108;
	_ =	swait.ge @!p0 [sflag:s8], $0x0  }
0x24: {  	s3 =	sadd.s32 $0x88, s3;
	s6 =	simm.s32 @!p1 $0x1082;
	[sflag:s4] =	ssyncset.s32 $0xFFFFF086  }
0x25: {  	[simem:s6], [sflag:s4] =	dma.local [hbm:s3], $0xF7A  }
0x26: {  	[smem:$0x3F8B] =	sst s1;
	(tag) =	ssettag s2;
	_ =	strace s9  }
0x27: {  	s1 =	sld [smem:$0x3F9B]  }
0x28: {  	s2 =	sld [smem:$0x3F9C]  }
0x29: {  	s4 =	sld [smem:$0x3F9E]  }
0x2a: {  	p0 =	seq.s32 s5, $0x0;
	s5 =	sld [smem:$0x3F9F]  }
0x2b: {  	s6 =	sld [smem:$0x3FA0]  }
0x2c: {  	s7 =	sld [smem:$0x3FA1]  }
0x2d: {  	s3 =	simm.s32 $0x108;
	s8 =	sld [smem:$0x3FA2]  }
0x2e: {  	s3 =	simm.s32 @!p0 $0x1082;
	s9 =	sld [smem:$0x3FA3]  }
0x2f: {  	lr =	sadd.s32 s0, s3;
	s0 =	sld [smem:$0x3F9A]  }
0x30: {  	s3 =	sld [smem:$0x3F9D]  }
0x31: {  	[smem:$0x3FA6] =	sst s10  }
0x32: {  	s10 =	sld [smem:$0x3FA4];
	_ =	sdelay $0x3  }
0x33: {  	p0 =	seq.s32 s10, $0x1;
	s10 =	sld [smem:$0x3FA6];
	_ =	sdelay $0x3  }
0x34: {  	[smem:$0x3FA6] =	sst s10  }
0x35: {  	s10 =	sld [smem:$0x3FA5];
	_ =	sdelay $0x3  }
0x36: {  	p1 =	seq.s32 s10, $0x1;
	s10 =	sld [smem:$0x3FA6];
	_ =	sdelay $0x3  }
0x37: {  	[smem:$0x3FA6] =	sst s10  }
0x38: {  	s10 =	sld [smem:$0x3FA7]  }
0x39: {  	_ = 	snop;
	(pc) =	sbr.ind lr, $3  }
0x3a: {  	_ = 	snop  }
0x3b: {  	_ = 	snop  }
0x3c: {  	p2 =	seq.s32 s10, $0x1;
	s10 =	sld [smem:$0x3FA6]  }
0x3d: {  	_ =	shalt  }
0x3e: {  	_ =	shalt  }
0x3f: {  	_ =	shalt  }
0x40: {  	_ =	shalt  }
0x41: {  	_ =	shalt  }
0x42: {  	_ =	shalt  }
0x43: {  	_ =	shalt  }
0x44: {  	_ =	shalt  }
0x45: {  	_ =	shalt  }
0x46: {  	_ =	shalt  }
0x47: {  	_ =	shalt  }
0x48: {  	_ =	shalt  }
0x49: {  	_ =	shalt  }
0x4a: {  	_ =	shalt  }
0x4b: {  	_ =	shalt  }
0x4c: {  	_ =	shalt  }
0x4d: {  	_ =	shalt  }
0x4e: {  	_ =	shalt  }
0x4f: {  	_ =	shalt  }
0x50: {  	_ =	shalt  }
0x51: {  	_ =	shalt  }
0x52: {  	_ =	shalt  }
0x53: {  	_ =	shalt  }
0x54: {  	_ =	shalt  }
0x55: {  	_ =	shalt  }
0x56: {  	_ =	shalt  }
0x57: {  	_ =	shalt  }
0x58: {  	_ =	shalt  }
0x59: {  	_ =	shalt  }
0x5a: {  	_ =	shalt  }
0x5b: {  	_ =	shalt  }
0x5c: {  	_ =	shalt  }
0x5d: {  	_ =	shalt  }
0x5e: {  	_ =	shalt  }
0x5f: {  	_ =	shalt  }
0x60: {  	_ =	shalt  }
0x61: {  	_ =	shalt  }
0x62: {  	_ =	shalt  }
0x63: {  	_ =	shalt  }
0x64: {  	_ =	shalt  }
0x65: {  	_ =	shalt  }
0x66: {  	_ =	shalt  }
0x67: {  	_ =	shalt  }
0x68: {  	_ =	shalt  }
0x69: {  	_ =	shalt  }
0x6a: {  	_ =	shalt  }
0x6b: {  	_ =	shalt  }
0x6c: {  	_ =	shalt  }
0x6d: {  	_ =	shalt  }
0x6e: {  	_ =	shalt  }
0x6f: {  	_ =	shalt  }
0x70: {  	_ =	shalt  }
0x71: {  	_ =	shalt  }
0x72: {  	_ =	shalt  }
0x73: {  	_ =	shalt  }
0x74: {  	_ =	shalt  }
0x75: {  	_ =	shalt  }
0x76: {  	_ =	shalt  }
0x77: {  	_ =	shalt  }
0x78: {  	_ =	shalt  }
0x79: {  	_ =	shalt  }
0x7a: {  	_ =	shalt  }
0x7b: {  	_ =	shalt  }
0x7c: {  	_ =	shalt  }
0x7d: {  	_ =	shalt  }
0x7e: {  	_ =	shalt  }
0x7f: {  	_ =	shalt  }
0x80: {  	_ =	shalt  }
0x81: {  	_ =	shalt  }
0x82: {  	_ =	shalt  }
0x83: {  	_ =	shalt  }
0x84: {  	_ =	shalt  }
0x85: {  	_ =	shalt  }
0x86: {  	_ =	shalt  }
0x87: {  	_ =	shalt  }
.Lfunc_end0:
.L_simem_size_0:
called_computation.2_lowered:
.L_overlay_start_0:
0x88: {  	s2 =	sld [smem:$0x3FD9]  }
0x89: {  	s3 =	sld [smem:$0x3FFE];
	_ =	sdelay $0x1  }
0x8a: {  	s1 =	srdreg.scid  }
0x8b: {  	s0 =	sand.u32 $0x1, s1  }
0x8c: {  	s17 =	sshll.u32 s0, $0xA;
	s2 =	sadd.s32 s3, s2  }
0x8d: {  	s2 =	sadd.s32 s2, s17  }
0x8e: {  	[smem:$0x3FB2] =	sst s2  }
0x8f: {  	_ = 	snop  }
0x90: {  	s2 =	sld [smem:$0x3FD0];
	(tm) =	ssettm $0x1  }
0x91: {  	s18 =	sld [smem:$0x3FFB];
	_ =	sdelay $0x3  }
0x92: {  	_ =	strace s18  }
0x93: {  	s3 =	sld [smem:$0x3FFC];
	_ =	sdelay $0x3  }
0x94: {  	_ =	strace s3  }
0x95: {  	s3 =	sld [smem:$0x3FFD];
	_ =	sdelay $0x3  }
0x96: {  	_ =	strace s3  }
0x97: {  	_ =	strace $0x8FFFFFFF  }
0x98: {  	s19 =	sld [smem:$0x3FDB];
	_ =	sdelay $0x1  }
0x99: {  	s4 =	simm.s32 $_scs_section_size  }
0x9a: {  	s5 =	simm.s32 $_size__tile_overlayer_lowered;
	s6 =	simm.s32 $_tile_overlayer_lowered  }
0x9b: {  	s22 =	simm.s32 $0x1BFF;
	s21 =	sshll.u32 s6, $0x1;
	s3 =	sadd.s32 s4, s19  }
0x9c: {  	s7 =	simm.s32 $0x0;
	s20 =	sshll.u32 s5, $0x1;
	s5 =	sadd.s32 s21, s3  }
0x9d: {  	[timem:s7], [sflag:s22] =	dma.local [hbm:s5], s20  }
0x9e: {  	_ =	swait.ge [sflag:s22], s20  }
0x9f: {  	s4 =	ssub.s32 $0x0, s20;
	[sflag:s22] =	ssyncset.done $0x0  }
0xa0: {  	[sflag:s22] =	ssyncadd.s32 s4;
	_ =	sdelay $0x1  }
0xa1: {  	s23 =	simm.s32 $0x1B8B  }
0xa2: {  	_ =	swait.ge [sflag:s23], $0x1  }
0xa3: {  	[sflag:s23] =	ssyncset.done $0x0  }
0xa4: {  	s25 =	simm.s32 $0x1B8E;
	s24 =	sld [smem:$0x3FFE];
	[sflag:s23] =	ssyncadd.s32 $0xFFFFFFFF  }
0xa5: {  	s26 =	simm.s32 $execute0_lowered;
	[smem:$0x3FD2] =	sst s25  }
0xa6: {  	s5 =	sshll.u32 s26, $0x1;
	_ =	strace $0x8000004C;
	[dreg:$0x1] =	wrdreg $0xFFFFFFFF  }
0xa7: {  	s28 =	simm.s32 $_size_execute0_lowered;
	s3 =	sadd.s32 s3, s5;
	[dreg:$0x0] =	wrdreg $0x0  }
0xa8: {  	s5 =	sshll.u32 s28, $0x1;
	[dreg:$0x2] =	wrdreg s3  }
0xa9: {  	[dreg:$0x3] =	wrdreg s5  }
0xaa: {  	[dreg:$0x4] =	wrdreg $0xC0  }
0xab: {  	_ =	task [dreg:s7], $0x5FFFF  }
0xac: {  	[dreg:$0x1] =	wrdreg $0xFFFFFFFF  }
0xad: {  	[dreg:$0x0] =	wrdreg $0x60  }
0xae: {  	[dreg:$0x2] =	wrdreg s24  }
0xaf: {  	[dreg:$0x3] =	wrdreg s2  }
0xb0: {  	[dreg:$0x4] =	wrdreg $0x90000  }
0xb1: {  	[dreg:$0x5] =	wrdreg $0x9  }
0xb2: {  	_ =	task.clear_ibuf [dreg:s7], $0x6FFFF;
	_ =	strace $0x9000004C  }
0xb3: {  	s29 =	simm.s32 $0x9;
	_ =	strace $0x8000004E  }
0xb4: {  	_ =	swait.ge [sflag:s29], $0x1  }
0xb5: {  	[sflag:s29] =	ssyncadd.s32 $0xFFFFFFFF  }
0xb6: {  	_ =	strace $0x9000004E  }
0xb7: {  	_ =	sfence  }
0xb8: {  	s30 =	sld [smem:$0x0];
	_ =	sdelay $0x2  }
0xb9: {  	s31 =	sshll.u32 s1, $0xD;
	s1 =	sshrl.u32 s1, $0x2  }
0xba: {  	s3 =	sand.u32 $0x4000, s31;
	s1 =	sadd.s32 s1, s30  }
0xbb: {  	s0 =	sor.u32 s3, s0;
	s1 =	sshll.u32 s1, $0x11  }
0xbc: {  	s0 =	sor.u32 s1, s0  }
0xbd: {  	s0 =	sadd.s32 $0x8F2B, s0  }
0xbe: {  	[sflag:s0] =	ssyncadd.remote.s32 $0x1  }
0xbf: {  	_ =	sfence.sel $0xFFFF  }
0xc0: {  	[dreg:$0x0] =	wrdreg $0xFFFFFFFF;
	(pc) =	sbr.abs _section_cstart, $3  }
0xc1: {  	[dreg:$0x1] =	wrdreg $0xFFFFFFFF  }
0xc2: {  	_ =	task.clear_ibuf [dreg:s7], $0x2FFFF;
	_ =	strace $0x9FFFFFFF  }
0xc3: {  	(tm) =	ssettm $0x7FFFFFFF  }
tec
execute0_lowered:
.L_overlay_start_1:
0x0: {  	(tag) =	ssettag $0x1  }
0x1: {  	s1 =	srdreg.scid;
	s6 =	rddreg [dreg:$0x0]  }
0x2: {  	s0 =	stileid.u32;
	s7 =	rddreg [dreg:$0x1]  }
0x3: {  	s2 =	rddreg [dreg:$0x2];
	s3 =	simm.s32 $0x0;
	s14 =	simm.s32 $0x80  }
0x4: {  	s15 =	simm.s32 $0x5000;
	s16 =	simm.s32 $0x1;
	s17 =	simm.s32 $0x0  }
0x5: {  	s5 =	sand.u32 $0x1, s1;
	s28 =	sshll.u32 s0, $0x1;
	s10 =	smul.u32 $0x14000, s0  }
0x6: {  	[smem:$0x7FF] =	sst s3;
	s4 =	sadd.s32 $0x2D400, s6;
	s13 =	smul.u32 $0x50000, s0  }
0x7: {  	s31 =	sshll.u32 s0, $0x6;
	s1 =	sor.u32 s5, s28;
	s9 =	smul.u32 $0x140000, s5  }
0x8: {  	s29 =	ssub.s32 $0x2, s5;
	s5 =	sadd.s32 $0x55400, s6;
	s8 =	smul.u32 $0x500, s1  }
0x9: {  	s1 =	rddreg [dreg:$0x3];
	_ =	strace $0x8000004D;
	s12 =	sshrl.u32 s29, $0x1  }
0xa: {  	s30 =	sshrl.u32 s13, $0x2;
	s9 =	sadd.s32 s10, s9;
	s10 =	ssub.s32 s29, s12  }
0xb: {  	s13 =	sadd.s32 s30, s2;
	s12 =	sor.u32 $0x1C02, s31;
	s9 =	sshrl.u32 s9, $0x3  }
0xc: {  	s11 =	sadd.s32 s8, s6;
	s13 =	sshrl.u32 s13, $0x3;
	s9 =	sadd.s32 s9, s6  }
0xd: {  	s6 =	sadd.s32 s7, s8;
	s7 =	sadd.s32 $0x58400, s11;
	s11 =	simm.s32 $0x2800  }
0xe: {  	s8 =	sadd.s32 $0xDA400, s9;
	s9 =	smax.u32 s10, $0x1;
	s10 =	simm.s32 $0x2  }
.LBB2_1:
0xf: {  	[tilespmem:s3], [sflag:$0x2] =	stream.linear.gather [hbm4b:s6+s3], $0x2780, $0x38;
	[tilespmem:$0x1D000] =	vst v63  }
0x10: {  	_ =	swait.ge [sflag:s10], $0x2780  }
0x11: {  	[sflag:s10] =	ssyncset.done $0x0  }
0x12: {  	[sflag:s10] =	ssyncadd.s32 $0xFFFFD880  }
0x13: {  	[tilespmem:s11], [sflag:$0x2] =	stream.linear.gather [hbm4b:s7+s3], $0x2780, $0x38;
	[tilespmem:$0x1D000] =	vst v63  }
0x14: {  	_ =	swait.ge [sflag:s10], $0x2780  }
0x15: {  	[sflag:s10] =	ssyncset.done $0x0  }
0x16: {  	[sflag:s10] =	ssyncadd.s32 $0xFFFFD880  }
0x17: {  	[spmem:s13], [sflag:s12] =	dma.local [hbm:s5], $0x2800  }
0x18: {  	_ =	swait.ge [sflag:s10], $0x2800  }
0x19: {  	[sflag:s10] =	ssyncset.done $0x0  }
0x1a: {  	[sflag:s10] =	ssyncadd.s32 $0xFFFFD800  }
0x1b: {  	s18 =	simm.s32 $0x0;
	[bflag:$0x0] =	sbarrier.arrive $0xFFFF  }
0x1c: {  	[tilespmem:s15], [sflag:$0x1] =	stream.indirect.gather [hbm4b:s4+s14], $0x80, s18, s14, $0xb8;
	[tilespmem:$0x1D000] =	vst v63  }
0x1d: {  	_ =	swait.ge [sflag:s16], $0x4000  }
0x1e: {  	[sflag:s16] =	ssyncset.done $0x0  }
0x1f: {  	s31 =	simm.s32 $0x2800;
	[sflag:s16] =	ssyncadd.s32 $0xFFFFC000  }
0x20: {  	[spmem:s2] =	stream.indirect.scatter.add.f32 [tilespmem:s15], [sflag:$0x2], $0x80, s31, s14, $0xb8;
	[tilespmem:$0x1D000] =	vst v63  }
0x21: {  	_ =	swait.ge [sflag:s10], $0x4000  }
0x22: {  	s19 =	simm.s32 $0x400;
	s18 =	simm.s32 $0x200;
	[sflag:s10] =	ssyncset.done $0x0  }
.LBB2_2:
0x23: {  	s20 =	sshra.s32 s18, $0x2  }
0x24: {  	[sflag:s10] =	ssyncadd.s32 $0xFFFFC000;
	s18 =	smov.u32 s19;
	s21 =	sadd.s32 $0x200, s19  }
0x25: {  	[tilespmem:s15], [sflag:$0x1] =	stream.indirect.gather [hbm4b:s4+s14], $0x80, s20, s14, $0xb8;
	[tilespmem:$0x1D000] =	vst v63  }
0x26: {  	p0 =	sne.s32 s19, $0x9C00;
	_ =	swait.ge [sflag:s16], $0x4000  }
.Ltmp0:
0x27: {  	[sflag:s16] =	ssyncset.done $0x0;
	(pc) =	sbr.rel @p0 .LBB2_2-.Ltmp0, $4  }
0x28: {  	s19 =	sadd.s32 $0x2800, s20;
	[sflag:s16] =	ssyncadd.s32 $0xFFFFC000  }
0x29: {  	[spmem:s2] =	stream.indirect.scatter.add.f32 [tilespmem:s15], [sflag:$0x2], $0x80, s19, s14, $0xb8;
	[tilespmem:$0x1D000] =	vst v63  }
0x2a: {  	_ =	swait.ge [sflag:s10], $0x4000  }
0x2b: {  	s19 =	smov.u32 s21;
	[sflag:s10] =	ssyncset.done $0x0  }
0x2c: {  	s18 =	sshra.s32 s18, $0x2;
	[sflag:s10] =	ssyncadd.s32 $0xFFFFC000  }
0x2d: {  	[tilespmem:s15], [sflag:$0x1] =	stream.indirect.gather [hbm4b:s4+s14], $0x80, s18, s14, $0xb8;
	[tilespmem:$0x1D000] =	vst v63  }
0x2e: {  	_ =	swait.ge [sflag:s16], $0x4000  }
0x2f: {  	[sflag:s16] =	ssyncset.done $0x0  }
0x30: {  	s18 =	sadd.s32 $0x2800, s18;
	[sflag:s16] =	ssyncadd.s32 $0xFFFFC000  }
0x31: {  	[spmem:s2] =	stream.indirect.scatter.add.f32 [tilespmem:s15], [sflag:$0x2], $0x80, s18, s14, $0xb8;
	[tilespmem:$0x1D000] =	vst v63  }
0x32: {  	_ =	swait.ge [sflag:s10], $0x4000  }
0x33: {  	s17 =	sadd.s32 $0x1, s17;
	[sflag:s10] =	ssyncset.done $0x0  }
0x34: {  	p0 =	sne.s32 s17, s9;
	[sflag:s10] =	ssyncadd.s32 $0xFFFFC000  }
.Ltmp1:
0x35: {  	[bflag:$0x0] =	sbarrier.arrive $0xFFFF;
	(pc) =	sbr.rel @p0 .LBB2_1-.Ltmp1, $4  }
0x36: {  	[hbm:s8], [sflag:s12] =	dma.local [spmem:s13], $0x2800  }
0x37: {  	_ =	swait.ge [sflag:s10], $0x2800  }
0x38: {  	[sflag:s10] =	ssyncset.done $0x0  }
0x39: {  	[sflag:s10] =	ssyncadd.s32 $0xFFFFD800  }
0x3a: {  	_ =	sfence.sel $0x180000  }
0x3b: {  	[bflag:$0x0] =	sbarrier.arrive $0xFFFF  }
0x3c: {  	p0 =	sne.s32 s0, $0x0;
	_ =	strace $0x9000004D  }
0x3d: {  	s0 =	sadd.s32 @!p0 $0x100000, s1;
	[bflag:$0x2] =	sbarrier.arrive $0xFFFF  }
0x3e: {  	[sflag:s0] =	ssyncadd.tile.s32 @!p0 $0x1;
	_ =	shalt  }
.Lfunc_end2:
_tile_overlayer_lowered:
.L_overlay_start_2:
0x3f: {  	(tag) =	ssettag $0x2  }
0x40: {  	s0 =	rddreg [dreg:$0x0];
	s2 =	stileid.u32  }
0x41: {  	s1 =	rddreg [dreg:$0x1];
	p0 =	sne.s32 s2, $0x0  }
0x42: {  	s3 =	rddreg [dreg:$0x2];
	[bflag:$0x3] =	sbarrier.arrive $0xFFFF;
	s2 =	simm.s32 @!p0 $0x1C02  }
0x43: {  	[timem:s3], [sflag:s2] =	dma.local @!p0 [hbm:s0], s1  }
0x44: {  	s0 =	simm.s32 @!p0 $0x2  }
0x45: {  	_ =	swait.ge @!p0 [sflag:s0], s1  }
0x46: {  	s1 =	ssub.s32 @!p0 $0x0, s1;
	[sflag:s0] =	ssyncset.done @!p0 $0x0  }
0x47: {  	[sflag:s0] =	ssyncadd.s32 @!p0 s1  }
0x48: {  	[bflag:$0x3] =	sbarrier.arrive $0xFFFF  }
0x49: {  	_ =	shalt  }

// kernel: kernel.19.cloned.1.call-start
scs
__scs_entry_jumppad:
0x0: {  	(pc) =	sbr.rel $0x88, $3  }
0x1: {  	(tag) =	ssettag $0x0;
	lr =	simm.s32 $0x1  }
0x2: {  	[smem:$0x3F8B] =	sst lr;
	_ =	strace $0xD0000000  }
0x3: {  	_ = 	snop  }
0x4: {  	_ = 	snop  }
0x5: {  	_ = 	snop  }
0x6: {  	_ = 	snop  }
0x7: {  	_ = 	snop  }
__scs_overlays_trampoline_lowered:
0x8: {  	[smem:$0x3F9A] =	sst s0  }
0x9: {  	[smem:$0x3F9B] =	sst s1  }
0xa: {  	[smem:$0x3F9C] =	sst s2  }
0xb: {  	[smem:$0x3F9D] =	sst s3  }
0xc: {  	[smem:$0x3F9E] =	sst s4  }
0xd: {  	[smem:$0x3F9F] =	sst s5  }
0xe: {  	[smem:$0x3FA0] =	sst s6  }
0xf: {  	[smem:$0x3FA1] =	sst s7  }
0x10: {  	[smem:$0x3FA2] =	sst s8  }
0x11: {  	[smem:$0x3FA3] =	sst s9;
	s0 =	simm.s32 @!p0 $0x0  }
0x12: {  	s1 =	sld [smem:$0x3F89];
	s0 =	simm.s32 @p0 $0x1  }
0x13: {  	[smem:$0x3FA4] =	sst s0;
	s0 =	simm.s32 @!p1 $0x0  }
0x14: {  	s2 =	sld [smem:$0x3F88];
	s0 =	simm.s32 @p1 $0x1  }
0x15: {  	[smem:$0x3FA5] =	sst s0;
	s0 =	simm.s32 @!p2 $0x0  }
0x16: {  	s3 =	sld [smem:$0x3FDB];
	s0 =	simm.s32 @p2 $0x1  }
0x17: {  	s4 =	simm.s32 $0x1BF5;
	[smem:$0x3FA7] =	sst s0  }
0x18: {  	s0 =	sld [smem:$0x3F8A];
	_ =	swait.ge [sflag:s4], $0x0  }
0x19: {  	s7 =	sld [smem:$0x3F8B]  }
0x1a: {  	s8 =	sadd.s32 $0xFFFFE003, lr  }
0x1b: {  	s9 =	sadd.s32 $0xFFFFFEF7, lr;
	s5 =	simm.s32 $0xFFFFFFFF;
	p2 =	slt.u32 s8, $0xFFFFF086  }
0x1c: {  	p1 =	slt.u32 s9, $0xF7A;
	s5 =	simm.s32 @!p2 $0x0  }
0x1d: {  	s5 =	simm.s32 @p1 $0x1;
	p0 =	seq.s32 s7, s2  }
0x1e: {  	s7 =	smul.u32 @!p0 $0xF7A, s2;
	p2 =	seq.s32 @!p0 s5, $0x0  }
0x1f: {  	s9 =	smul.u32 $0xF7A, s1;
	s8 =	simm.s32 @!p0 $0x1BF5;
	p2 =	por !p2, p0  }
0x20: {  	[sflag:s8] =	ssyncset.s32 @!p0 $0xFFFFF086;
	s6 =	sadd.s32 @!p0 s3, s7;
	s7 =	simm.s32 @!p0 $0x108  }
0x21: {  	s3 =	sadd.s32 s3, s9;
	s6 =	sadd.s32 @!p0 $0x88, s6;
	s7 =	simm.s32 @p2 $0x1082  }
0x22: {  	[simem:s7], [sflag:s8] =	dma.local @!p0 [hbm:s6], $0xF7A  }
0x23: {  	s9 =	sor.u32 $0xD0000000, s2;
	s6 =	simm.s32 $0x108;
	_ =	swait.ge @!p0 [sflag:s8], $0x0  }
0x24: {  	s3 =	sadd.s32 $0x88, s3;
	s6 =	simm.s32 @!p1 $0x1082;
	[sflag:s4] =	ssyncset.s32 $0xFFFFF086  }
0x25: {  	[simem:s6], [sflag:s4] =	dma.local [hbm:s3], $0xF7A  }
0x26: {  	[smem:$0x3F8B] =	sst s1;
	(tag) =	ssettag s2;
	_ =	strace s9  }
0x27: {  	s1 =	sld [smem:$0x3F9B]  }
0x28: {  	s2 =	sld [smem:$0x3F9C]  }
0x29: {  	s4 =	sld [smem:$0x3F9E]  }
0x2a: {  	p0 =	seq.s32 s5, $0x0;
	s5 =	sld [smem:$0x3F9F]  }
0x2b: {  	s6 =	sld [smem:$0x3FA0]  }
0x2c: {  	s7 =	sld [smem:$0x3FA1]  }
0x2d: {  	s3 =	simm.s32 $0x108;
	s8 =	sld [smem:$0x3FA2]  }
0x2e: {  	s3 =	simm.s32 @!p0 $0x1082;
	s9 =	sld [smem:$0x3FA3]  }
0x2f: {  	lr =	sadd.s32 s0, s3;
	s0 =	sld [smem:$0x3F9A]  }
0x30: {  	s3 =	sld [smem:$0x3F9D]  }
0x31: {  	[smem:$0x3FA6] =	sst s10  }
0x32: {  	s10 =	sld [smem:$0x3FA4];
	_ =	sdelay $0x3  }
0x33: {  	p0 =	seq.s32 s10, $0x1;
	s10 =	sld [smem:$0x3FA6];
	_ =	sdelay $0x3  }
0x34: {  	[smem:$0x3FA6] =	sst s10  }
0x35: {  	s10 =	sld [smem:$0x3FA5];
	_ =	sdelay $0x3  }
0x36: {  	p1 =	seq.s32 s10, $0x1;
	s10 =	sld [smem:$0x3FA6];
	_ =	sdelay $0x3  }
0x37: {  	[smem:$0x3FA6] =	sst s10  }
0x38: {  	s10 =	sld [smem:$0x3FA7]  }
0x39: {  	_ = 	snop;
	(pc) =	sbr.ind lr, $3  }
0x3a: {  	_ = 	snop  }
0x3b: {  	_ = 	snop  }
0x3c: {  	p2 =	seq.s32 s10, $0x1;
	s10 =	sld [smem:$0x3FA6]  }
0x3d: {  	_ =	shalt  }
0x3e: {  	_ =	shalt  }
0x3f: {  	_ =	shalt  }
0x40: {  	_ =	shalt  }
0x41: {  	_ =	shalt  }
0x42: {  	_ =	shalt  }
0x43: {  	_ =	shalt  }
0x44: {  	_ =	shalt  }
0x45: {  	_ =	shalt  }
0x46: {  	_ =	shalt  }
0x47: {  	_ =	shalt  }
0x48: {  	_ =	shalt  }
0x49: {  	_ =	shalt  }
0x4a: {  	_ =	shalt  }
0x4b: {  	_ =	shalt  }
0x4c: {  	_ =	shalt  }
0x4d: {  	_ =	shalt  }
0x4e: {  	_ =	shalt  }
0x4f: {  	_ =	shalt  }
0x50: {  	_ =	shalt  }
0x51: {  	_ =	shalt  }
0x52: {  	_ =	shalt  }
0x53: {  	_ =	shalt  }
0x54: {  	_ =	shalt  }
0x55: {  	_ =	shalt  }
0x56: {  	_ =	shalt  }
0x57: {  	_ =	shalt  }
0x58: {  	_ =	shalt  }
0x59: {  	_ =	shalt  }
0x5a: {  	_ =	shalt  }
0x5b: {  	_ =	shalt  }
0x5c: {  	_ =	shalt  }
0x5d: {  	_ =	shalt  }
0x5e: {  	_ =	shalt  }
0x5f: {  	_ =	shalt  }
0x60: {  	_ =	shalt  }
0x61: {  	_ =	shalt  }
0x62: {  	_ =	shalt  }
0x63: {  	_ =	shalt  }
0x64: {  	_ =	shalt  }
0x65: {  	_ =	shalt  }
0x66: {  	_ =	shalt  }
0x67: {  	_ =	shalt  }
0x68: {  	_ =	shalt  }
0x69: {  	_ =	shalt  }
0x6a: {  	_ =	shalt  }
0x6b: {  	_ =	shalt  }
0x6c: {  	_ =	shalt  }
0x6d: {  	_ =	shalt  }
0x6e: {  	_ =	shalt  }
0x6f: {  	_ =	shalt  }
0x70: {  	_ =	shalt  }
0x71: {  	_ =	shalt  }
0x72: {  	_ =	shalt  }
0x73: {  	_ =	shalt  }
0x74: {  	_ =	shalt  }
0x75: {  	_ =	shalt  }
0x76: {  	_ =	shalt  }
0x77: {  	_ =	shalt  }
0x78: {  	_ =	shalt  }
0x79: {  	_ =	shalt  }
0x7a: {  	_ =	shalt  }
0x7b: {  	_ =	shalt  }
0x7c: {  	_ =	shalt  }
0x7d: {  	_ =	shalt  }
0x7e: {  	_ =	shalt  }
0x7f: {  	_ =	shalt  }
0x80: {  	_ =	shalt  }
0x81: {  	_ =	shalt  }
0x82: {  	_ =	shalt  }
0x83: {  	_ =	shalt  }
0x84: {  	_ =	shalt  }
0x85: {  	_ =	shalt  }
0x86: {  	_ =	shalt  }
0x87: {  	_ =	shalt  }
.Lfunc_end0:
.L_simem_size_0:
called_computation.3_lowered:
.L_overlay_start_0:
0x88: {  	s2 =	sld [smem:$0x3FD9]  }
0x89: {  	s3 =	sld [smem:$0x3FFE];
	_ =	sdelay $0x1  }
0x8a: {  	s1 =	srdreg.scid  }
0x8b: {  	s0 =	sand.u32 $0x1, s1  }
0x8c: {  	s17 =	sshll.u32 s0, $0xA;
	s2 =	sadd.s32 s3, s2  }
0x8d: {  	s2 =	sadd.s32 s2, s17  }
0x8e: {  	[smem:$0x3FB2] =	sst s2  }
0x8f: {  	_ = 	snop  }
0x90: {  	s2 =	sld [smem:$0x3FD0];
	(tm) =	ssettm $0x1  }
0x91: {  	s18 =	sld [smem:$0x3FFB];
	_ =	sdelay $0x3  }
0x92: {  	_ =	strace s18  }
0x93: {  	s3 =	sld [smem:$0x3FFC];
	_ =	sdelay $0x3  }
0x94: {  	_ =	strace s3  }
0x95: {  	s3 =	sld [smem:$0x3FFD];
	_ =	sdelay $0x3  }
0x96: {  	_ =	strace s3  }
0x97: {  	_ =	strace $0x8FFFFFFF  }
0x98: {  	s19 =	sld [smem:$0x3FDB];
	_ =	sdelay $0x1  }
0x99: {  	s4 =	simm.s32 $_scs_section_size  }
0x9a: {  	s5 =	simm.s32 $_size__tile_overlayer_lowered;
	s6 =	simm.s32 $_tile_overlayer_lowered  }
0x9b: {  	s22 =	simm.s32 $0x1BFF;
	s21 =	sshll.u32 s6, $0x1;
	s3 =	sadd.s32 s4, s19  }
0x9c: {  	s7 =	simm.s32 $0x0;
	s20 =	sshll.u32 s5, $0x1;
	s5 =	sadd.s32 s21, s3  }
0x9d: {  	[timem:s7], [sflag:s22] =	dma.local [hbm:s5], s20  }
0x9e: {  	_ =	swait.ge [sflag:s22], s20  }
0x9f: {  	s4 =	ssub.s32 $0x0, s20;
	[sflag:s22] =	ssyncset.done $0x0  }
0xa0: {  	[sflag:s22] =	ssyncadd.s32 s4;
	_ =	sdelay $0x1  }
0xa1: {  	s23 =	simm.s32 $0x1B8B  }
0xa2: {  	_ =	swait.ge [sflag:s23], $0x1  }
0xa3: {  	[sflag:s23] =	ssyncset.done $0x0  }
0xa4: {  	s25 =	simm.s32 $0x1B8E;
	s24 =	sld [smem:$0x3FFE];
	[sflag:s23] =	ssyncadd.s32 $0xFFFFFFFF  }
0xa5: {  	s26 =	simm.s32 $execute0_lowered;
	[smem:$0x3FD2] =	sst s25  }
0xa6: {  	s5 =	sshll.u32 s26, $0x1;
	_ =	strace $0x8000004F;
	[dreg:$0x1] =	wrdreg $0xFFFFFFFF  }
0xa7: {  	s28 =	simm.s32 $_size_execute0_lowered;
	s3 =	sadd.s32 s3, s5;
	[dreg:$0x0] =	wrdreg $0x0  }
0xa8: {  	s5 =	sshll.u32 s28, $0x1;
	[dreg:$0x2] =	wrdreg s3  }
0xa9: {  	[dreg:$0x3] =	wrdreg s5  }
0xaa: {  	[dreg:$0x4] =	wrdreg $0xC0  }
0xab: {  	_ =	task [dreg:s7], $0x5FFFF  }
0xac: {  	[dreg:$0x1] =	wrdreg $0xFFFFFFFF  }
0xad: {  	[dreg:$0x0] =	wrdreg $0x60  }
0xae: {  	[dreg:$0x2] =	wrdreg s24  }
0xaf: {  	[dreg:$0x3] =	wrdreg s2  }
0xb0: {  	[dreg:$0x4] =	wrdreg $0x90000  }
0xb1: {  	[dreg:$0x5] =	wrdreg $0x9  }
0xb2: {  	_ =	task.clear_ibuf [dreg:s7], $0x6FFFF;
	_ =	strace $0x9000004F  }
0xb3: {  	s29 =	simm.s32 $0x9;
	_ =	strace $0x80000051  }
0xb4: {  	_ =	swait.ge [sflag:s29], $0x1  }
0xb5: {  	[sflag:s29] =	ssyncadd.s32 $0xFFFFFFFF  }
0xb6: {  	_ =	strace $0x90000051  }
0xb7: {  	_ =	sfence  }
0xb8: {  	s30 =	sld [smem:$0x0];
	_ =	sdelay $0x2  }
0xb9: {  	s31 =	sshll.u32 s1, $0xD;
	s1 =	sshrl.u32 s1, $0x2  }
0xba: {  	s3 =	sand.u32 $0x4000, s31;
	s1 =	sadd.s32 s1, s30  }
0xbb: {  	s0 =	sor.u32 s3, s0;
	s1 =	sshll.u32 s1, $0x11  }
0xbc: {  	s0 =	sor.u32 s1, s0  }
0xbd: {  	s0 =	sadd.s32 $0x8F2B, s0  }
0xbe: {  	[sflag:s0] =	ssyncadd.remote.s32 $0x1  }
0xbf: {  	_ =	sfence.sel $0xFFFF  }
0xc0: {  	[dreg:$0x0] =	wrdreg $0xFFFFFFFF;
	(pc) =	sbr.abs _section_cstart, $3  }
0xc1: {  	[dreg:$0x1] =	wrdreg $0xFFFFFFFF  }
0xc2: {  	_ =	task.clear_ibuf [dreg:s7], $0x2FFFF;
	_ =	strace $0x9FFFFFFF  }
0xc3: {  	(tm) =	ssettm $0x7FFFFFFF  }
tec
execute0_lowered:
.L_overlay_start_1:
0x0: {  	(tag) =	ssettag $0x1  }
0x1: {  	s1 =	srdreg.scid;
	s6 =	rddreg [dreg:$0x0]  }
0x2: {  	s0 =	stileid.u32;
	s7 =	rddreg [dreg:$0x1]  }
0x3: {  	s2 =	rddreg [dreg:$0x2];
	s3 =	simm.s32 $0x0;
	s14 =	simm.s32 $0x80  }
0x4: {  	s15 =	simm.s32 $0x5000;
	s16 =	simm.s32 $0x1;
	s17 =	simm.s32 $0x0  }
0x5: {  	s5 =	sand.u32 $0x1, s1;
	s28 =	sshll.u32 s0, $0x1;
	s10 =	smul.u32 $0x14000, s0  }
0x6: {  	[smem:$0x7FF] =	sst s3;
	s4 =	sadd.s32 $0x2D400, s6;
	s13 =	smul.u32 $0x50000, s0  }
0x7: {  	s31 =	sshll.u32 s0, $0x6;
	s1 =	sor.u32 s5, s28;
	s9 =	smul.u32 $0x140000, s5  }
0x8: {  	s29 =	ssub.s32 $0x2, s5;
	s5 =	sadd.s32 $0x55400, s6;
	s8 =	smul.u32 $0x500, s1  }
0x9: {  	s1 =	rddreg [dreg:$0x3];
	_ =	strace $0x80000050;
	s12 =	sshrl.u32 s29, $0x1  }
0xa: {  	s30 =	sshrl.u32 s13, $0x2;
	s9 =	sadd.s32 s10, s9;
	s10 =	ssub.s32 s29, s12  }
0xb: {  	s13 =	sadd.s32 s30, s2;
	s12 =	sor.u32 $0x1C02, s31;
	s9 =	sshrl.u32 s9, $0x3  }
0xc: {  	s11 =	sadd.s32 s8, s6;
	s13 =	sshrl.u32 s13, $0x3;
	s9 =	sadd.s32 s9, s6  }
0xd: {  	s6 =	sadd.s32 s7, s8;
	s7 =	sadd.s32 $0x58400, s11;
	s11 =	simm.s32 $0x2800  }
0xe: {  	s8 =	sadd.s32 $0xDA400, s9;
	s9 =	smax.u32 s10, $0x1;
	s10 =	simm.s32 $0x2  }
.LBB2_1:
0xf: {  	[tilespmem:s3], [sflag:$0x2] =	stream.linear.gather [hbm4b:s6+s3], $0x2780, $0x38;
	[tilespmem:$0x1D000] =	vst v63  }
0x10: {  	_ =	swait.ge [sflag:s10], $0x2780  }
0x11: {  	[sflag:s10] =	ssyncset.done $0x0  }
0x12: {  	[sflag:s10] =	ssyncadd.s32 $0xFFFFD880  }
0x13: {  	[tilespmem:s11], [sflag:$0x2] =	stream.linear.gather [hbm4b:s7+s3], $0x2780, $0x38;
	[tilespmem:$0x1D000] =	vst v63  }
0x14: {  	_ =	swait.ge [sflag:s10], $0x2780  }
0x15: {  	[sflag:s10] =	ssyncset.done $0x0  }
0x16: {  	[sflag:s10] =	ssyncadd.s32 $0xFFFFD880  }
0x17: {  	[spmem:s13], [sflag:s12] =	dma.local [hbm:s5], $0x2800  }
0x18: {  	_ =	swait.ge [sflag:s10], $0x2800  }
0x19: {  	[sflag:s10] =	ssyncset.done $0x0  }
0x1a: {  	[sflag:s10] =	ssyncadd.s32 $0xFFFFD800  }
0x1b: {  	s18 =	simm.s32 $0x0;
	[bflag:$0x0] =	sbarrier.arrive $0xFFFF  }
0x1c: {  	[tilespmem:s15], [sflag:$0x1] =	stream.indirect.gather [hbm4b:s4+s14], $0x80, s18, s14, $0xb8;
	[tilespmem:$0x1D000] =	vst v63  }
0x1d: {  	_ =	swait.ge [sflag:s16], $0x4000  }
0x1e: {  	[sflag:s16] =	ssyncset.done $0x0  }
0x1f: {  	s31 =	simm.s32 $0x2800;
	[sflag:s16] =	ssyncadd.s32 $0xFFFFC000  }
0x20: {  	[spmem:s2] =	stream.indirect.scatter.add.f32 [tilespmem:s15], [sflag:$0x2], $0x80, s31, s14, $0xb8;
	[tilespmem:$0x1D000] =	vst v63  }
0x21: {  	_ =	swait.ge [sflag:s10], $0x4000  }
0x22: {  	s19 =	simm.s32 $0x400;
	s18 =	simm.s32 $0x200;
	[sflag:s10] =	ssyncset.done $0x0  }
.LBB2_2:
0x23: {  	s20 =	sshra.s32 s18, $0x2  }
0x24: {  	[sflag:s10] =	ssyncadd.s32 $0xFFFFC000;
	s18 =	smov.u32 s19;
	s21 =	sadd.s32 $0x200, s19  }
0x25: {  	[tilespmem:s15], [sflag:$0x1] =	stream.indirect.gather [hbm4b:s4+s14], $0x80, s20, s14, $0xb8;
	[tilespmem:$0x1D000] =	vst v63  }
0x26: {  	p0 =	sne.s32 s19, $0x9C00;
	_ =	swait.ge [sflag:s16], $0x4000  }
.Ltmp0:
0x27: {  	[sflag:s16] =	ssyncset.done $0x0;
	(pc) =	sbr.rel @p0 .LBB2_2-.Ltmp0, $4  }
0x28: {  	s19 =	sadd.s32 $0x2800, s20;
	[sflag:s16] =	ssyncadd.s32 $0xFFFFC000  }
0x29: {  	[spmem:s2] =	stream.indirect.scatter.add.f32 [tilespmem:s15], [sflag:$0x2], $0x80, s19, s14, $0xb8;
	[tilespmem:$0x1D000] =	vst v63  }
0x2a: {  	_ =	swait.ge [sflag:s10], $0x4000  }
0x2b: {  	s19 =	smov.u32 s21;
	[sflag:s10] =	ssyncset.done $0x0  }
0x2c: {  	s18 =	sshra.s32 s18, $0x2;
	[sflag:s10] =	ssyncadd.s32 $0xFFFFC000  }
0x2d: {  	[tilespmem:s15], [sflag:$0x1] =	stream.indirect.gather [hbm4b:s4+s14], $0x80, s18, s14, $0xb8;
	[tilespmem:$0x1D000] =	vst v63  }
0x2e: {  	_ =	swait.ge [sflag:s16], $0x4000  }
0x2f: {  	[sflag:s16] =	ssyncset.done $0x0  }
0x30: {  	s18 =	sadd.s32 $0x2800, s18;
	[sflag:s16] =	ssyncadd.s32 $0xFFFFC000  }
0x31: {  	[spmem:s2] =	stream.indirect.scatter.add.f32 [tilespmem:s15], [sflag:$0x2], $0x80, s18, s14, $0xb8;
	[tilespmem:$0x1D000] =	vst v63  }
0x32: {  	_ =	swait.ge [sflag:s10], $0x4000  }
0x33: {  	s17 =	sadd.s32 $0x1, s17;
	[sflag:s10] =	ssyncset.done $0x0  }
0x34: {  	p0 =	sne.s32 s17, s9;
	[sflag:s10] =	ssyncadd.s32 $0xFFFFC000  }
.Ltmp1:
0x35: {  	[bflag:$0x0] =	sbarrier.arrive $0xFFFF;
	(pc) =	sbr.rel @p0 .LBB2_1-.Ltmp1, $4  }
0x36: {  	[hbm:s8], [sflag:s12] =	dma.local [spmem:s13], $0x2800  }
0x37: {  	_ =	swait.ge [sflag:s10], $0x2800  }
0x38: {  	[sflag:s10] =	ssyncset.done $0x0  }
0x39: {  	[sflag:s10] =	ssyncadd.s32 $0xFFFFD800  }
0x3a: {  	_ =	sfence.sel $0x180000  }
0x3b: {  	[bflag:$0x0] =	sbarrier.arrive $0xFFFF  }
0x3c: {  	p0 =	sne.s32 s0, $0x0;
	_ =	strace $0x90000050  }
0x3d: {  	s0 =	sadd.s32 @!p0 $0x100000, s1;
	[bflag:$0x2] =	sbarrier.arrive $0xFFFF  }
0x3e: {  	[sflag:s0] =	ssyncadd.tile.s32 @!p0 $0x1;
	_ =	shalt  }
.Lfunc_end2:
_tile_overlayer_lowered:
.L_overlay_start_2:
0x3f: {  	(tag) =	ssettag $0x2  }
0x40: {  	s0 =	rddreg [dreg:$0x0];
	s2 =	stileid.u32  }
0x41: {  	s1 =	rddreg [dreg:$0x1];
	p0 =	sne.s32 s2, $0x0  }
0x42: {  	s3 =	rddreg [dreg:$0x2];
	[bflag:$0x3] =	sbarrier.arrive $0xFFFF;
	s2 =	simm.s32 @!p0 $0x1C02  }
0x43: {  	[timem:s3], [sflag:s2] =	dma.local @!p0 [hbm:s0], s1  }
0x44: {  	s0 =	simm.s32 @!p0 $0x2  }
0x45: {  	_ =	swait.ge @!p0 [sflag:s0], s1  }
0x46: {  	s1 =	ssub.s32 @!p0 $0x0, s1;
	[sflag:s0] =	ssyncset.done @!p0 $0x0  }
0x47: {  	[sflag:s0] =	ssyncadd.s32 @!p0 s1  }
0x48: {  	[bflag:$0x3] =	sbarrier.arrive $0xFFFF  }
0x49: {  	_ =	shalt  }

</sc_bundles>
